<compile_context>
chip_gen: v7x
topology: tpu7x:2x2x1
jax: 0.10.2.dev20260603
libtpu: 0.0.44.dev20260713+nightly
codegen_flags: <defaults>
</compile_context>

<pallas_src>
import functools

import jax
import jax.numpy as jnp
from jax import lax
from jax.experimental import pallas as pl
from jax.experimental.pallas import tpu as pltpu
from jax.experimental.pallas import tpu_sc as plsc

NB = 2048
LANES = 16
NW = 32
ROWS = 4 * 4096
ROWS_PER_W = ROWS // NW
CHUNK_ROWS = 16
NCH = ROWS_PER_W // CHUNK_ROWS
VPC = CHUNK_ROWS * NB // LANES
UNROLL = 8


def _vreg(buf, g):
    return buf[g >> 7, pl.ds((g & 127) * LANES, LANES)]


def _minmax_body(x_ref, min_ref, max_ref):
    i = pl.program_id(0)
    bmin = jnp.min(x_ref[...])
    bmax = jnp.max(x_ref[...])

    @pl.when(i == 0)
    def _():
        min_ref[0, 0] = bmin
        max_ref[0, 0] = bmax

    @pl.when(i != 0)
    def _():
        min_ref[0, 0] = jnp.minimum(min_ref[0, 0], bmin)
        max_ref[0, 0] = jnp.maximum(max_ref[0, 0], bmax)


def _minmax_call(x2d):
    block_rows = 1024
    return pl.pallas_call(
        _minmax_body,
        grid=(x2d.shape[0] // block_rows,),
        in_specs=[pl.BlockSpec((block_rows, x2d.shape[1]), lambda i: (i, 0))],
        out_specs=[
            pl.BlockSpec(memory_space=pltpu.SMEM),
            pl.BlockSpec(memory_space=pltpu.SMEM),
        ],
        out_shape=[
            jax.ShapeDtypeStruct((1, 1), jnp.float32),
            jax.ShapeDtypeStruct((1, 1), jnp.float32),
        ],
    )(x2d)


def _hist_call(x2d, params):
    mesh = plsc.VectorSubcoreMesh(core_axis_name="c", subcore_axis_name="s")

    @functools.partial(
        pl.kernel,
        mesh=mesh,
        compiler_params=pltpu.CompilerParams(needs_layout_passes=False),
        out_type=jax.ShapeDtypeStruct((NW * NB,), jnp.float32),
        scratch_types=[
            pltpu.VMEM((CHUNK_ROWS, NB), jnp.float32),
            pltpu.VMEM((CHUNK_ROWS, NB), jnp.float32),
            pltpu.VMEM((LANES * NB,), jnp.float32),
            pltpu.VMEM((NB,), jnp.float32),
            pltpu.VMEM((2 * LANES,), jnp.float32),
            pltpu.SemaphoreType.DMA,
            pltpu.SemaphoreType.DMA,
        ],
    )
    def hist_kernel(x_hbm, p_hbm, out_hbm, buf0, buf1, hist, outbuf, pbuf,
                    sem0, sem1):
        wid = lax.axis_index("s") * 2 + lax.axis_index("c")
        base = wid * ROWS_PER_W

        pltpu.sync_copy(p_hbm, pbuf)
        minv = pbuf[pl.ds(0, LANES)]
        wv = pbuf[pl.ds(LANES, LANES)]
        laneoff = plsc.bitcast(lax.iota(jnp.int32, LANES) * NB, jnp.uint32)
        ones = jnp.ones((LANES,), jnp.float32)
        zeros = jnp.zeros((LANES,), jnp.float32)

        @plsc.parallel_loop(0, LANES * NB // LANES, unroll=8)
        def _zinit(i):
            hist[pl.ds(i * LANES, LANES)] = zeros

        def start(c, buf, sem):
            pltpu.async_copy(
                x_hbm.at[pl.ds(base + c * CHUNK_ROWS, CHUNK_ROWS), :],
                buf, sem)

        def wait(buf, sem):
            pltpu.make_async_copy(
                x_hbm.at[pl.ds(base, CHUNK_ROWS), :], buf, sem).wait()

        def process(buf):
            @plsc.parallel_loop(0, VPC, unroll=UNROLL)
            def _inner(i):
                v = _vreg(buf, i)
                q = (v - minv) / wv
                idx_u = plsc.bitcast(q.astype(jnp.int32), jnp.uint32)
                idx = jnp.minimum(idx_u, jnp.uint32(NB - 1)) + laneoff
                plsc.addupdate_scatter(
                    hist, [plsc.bitcast(idx, jnp.int32)], ones)

        start(0, buf0, sem0)

        def outer(j, carry):
            start(2 * j + 1, buf1, sem1)
            wait(buf0, sem0)
            process(buf0)

            @pl.when(j < NCH // 2 - 1)
            def _():
                start(2 * j + 2, buf0, sem0)

            wait(buf1, sem1)
            process(buf1)
            return carry

        lax.fori_loop(0, NCH // 2, outer, 0)

        @plsc.parallel_loop(0, NB // LANES, unroll=2)
        def _red(g):
            acc = zeros
            for l in range(LANES):
                acc = acc + hist[pl.ds(l * NB + g * LANES, LANES)]
            outbuf[pl.ds(g * LANES, LANES)] = acc

        pltpu.sync_copy(outbuf, out_hbm.at[pl.ds(wid * NB, NB)])

    return hist_kernel(x2d, params)


def kernel(x):
    x2d = x.reshape(ROWS, NB)
    mn, mx = _minmax_call(x2d)
    min_val = mn[0, 0]
    max_val = mx[0, 0]
    bin_width = (max_val - min_val) / NB
    safe_width = jnp.where(bin_width == 0, jnp.float32(1.0), bin_width)
    params = jnp.concatenate(
        [jnp.full((LANES,), min_val), jnp.full((LANES,), safe_width)])
    partials = _hist_call(x2d, params)
    histogram = partials.reshape(NW, NB).sum(0)
    return (x, histogram, min_val, max_val)

# --- scband reference (transcript-rebuilt; emitter-appended) ---
"""Pipeline reference for scband-histogram-observer-4200478015572 (READ-ONLY COPY).

The authoritative reference and input builder live on the scoring server;
editing this copy changes nothing except your own understanding.
"""

import jax, jax.numpy as jnp
import numpy as np

BINS = 2048

def setup_inputs(seed: int = 0) -> dict:
    key = jax.random.key(seed)
    x = jax.random.normal(key, (4, 4096, 2048), dtype=jnp.float32)
    return {"x": x}

def reference(x):
    # First call of HistogramObserver.forward: min_val/max_val are None, so the
    # observer computes global min/max and a histogram (torch.histc semantics:
    # flatten, `bins` equal-width bins between min and max, max value lands in
    # the last bin). The module's forward returns x unchanged; we also expose
    # the updated buffers (histogram, min_val, max_val).
    flat = x.ravel()
    min_val = jnp.min(flat)
    max_val = jnp.max(flat)
    bin_width = (max_val - min_val) / BINS
    safe_width = jnp.where(bin_width == 0, jnp.float32(1.0), bin_width)
    idx = jnp.floor((flat - min_val) / safe_width).astype(jnp.int32)
    idx = jnp.clip(idx, 0, BINS - 1)
    histogram = jnp.zeros((BINS,), dtype=jnp.float32).at[idx].add(1.0)
    return (x, histogram, min_val, max_val)

if __name__ == "__main__":
    import jax
    _d = setup_inputs()
    print(jax.jit(kernel)(*tuple(_d.values())))

</pallas_src>

<mosaic_0001>
#map = affine_map<(d0, d1) -> (0, 0)>
#map1 = affine_map<(d0, d1) -> (0)>
module attributes {stable_mosaic.version = 14 : i64} {
  func.func @hist_kernel(%arg0: i32, %arg1: i32, %arg2: memref<16384x2048xf32, #tpu.memory_space<hbm>>, %arg3: memref<32xf32, #tpu.memory_space<hbm>>, %arg4: memref<65536xf32, #tpu.memory_space<hbm>>, %arg5: memref<16x2048xf32, #tpu.memory_space<vmem>>, %arg6: memref<16x2048xf32, #tpu.memory_space<vmem>>, %arg7: memref<32768xf32, #tpu.memory_space<vmem>>, %arg8: memref<2048xf32, #tpu.memory_space<vmem>>, %arg9: memref<32xf32, #tpu.memory_space<vmem>>, %arg10: memref<!tpu.dma_semaphore, #tpu.memory_space<semaphore_mem>>, %arg11: memref<!tpu.dma_semaphore, #tpu.memory_space<semaphore_mem>>) attributes {dimension_semantics = [#tpu.dimension_semantics<core_parallel>, #tpu.dimension_semantics<subcore_parallel>], iteration_bounds = array<i64: 2, 16>, scalar_prefetch = 0 : i64, scratch_operands = 7 : i64, tpu.core_type = #tpu.core_type<sc_vector_subcore>, window_params = [{transform_indices = #map}, {transform_indices = #map1}, {transform_indices = #map1}]} {
    %mul3A = arith.constant 2 : i32
    %mul3A_0 = arith.muli %arg1, %mul3A : i32
    %add3A = arith.addi %mul3A_0, %arg0 : i32
    %mul3A_1 = arith.constant 512 : i32
    %mul3A_2 = arith.muli %add3A, %mul3A_1 : i32
    "tpu.region"() ({
      %run_scoped3A = tpu.sem_alloc : memref<!tpu.dma_semaphore, #tpu.memory_space<semaphore_mem>>
      tpu.enqueue_dma source(%arg3 : memref<32xf32, #tpu.memory_space<hbm>>) target(%arg9 : memref<32xf32, #tpu.memory_space<vmem>>) target_semaphore(%run_scoped3A : memref<!tpu.dma_semaphore, #tpu.memory_space<semaphore_mem>>)
      tpu.wait_dma2 semaphore(%run_scoped3A : memref<!tpu.dma_semaphore, #tpu.memory_space<semaphore_mem>>) src(%arg3 : memref<32xf32, #tpu.memory_space<hbm>>) dst(%arg9 : memref<32xf32, #tpu.memory_space<vmem>>)
      tpu.yield
    }) : () -> ()
    %get3A = arith.constant 0 : index
    %get3A_3 = tpu.vector_load %arg9[%get3A] {strides = array<i32>} : memref<32xf32, #tpu.memory_space<vmem>>, vector<16xf32>,
    %get3A_4 = arith.constant 16 : index
    %get3A_5 = tpu.vector_load %arg9[%get3A_4] {strides = array<i32>} : memref<32xf32, #tpu.memory_space<vmem>>, vector<16xf32>,
    %iota3A = tpu.iota {dimensions = array<i32: 0>} : vector<16xi32>
    %mul3A_6 = arith.constant 2048 : i32
    %mul3A_7 = vector.broadcast %mul3A_6 : i32 to vector<16xi32>
    %mul3A_8 = arith.muli %iota3A, %mul3A_7 : vector<16xi32>
    %bitcast3A = vector.bitcast %mul3A_8 : vector<16xi32> to vector<16xi32>
    %broadcast_in_dim3A = arith.constant 1.000000e+00 : f32
    %broadcast_in_dim3A_9 = vector.broadcast %broadcast_in_dim3A : f32 to vector<16xf32>
    %broadcast_in_dim3A_10 = arith.constant 0.000000e+00 : f32
    %broadcast_in_dim3A_11 = vector.broadcast %broadcast_in_dim3A_10 : f32 to vector<16xf32>
    %parallel_loop3A = arith.constant 0 : i32
    %parallel_loop3A_12 = arith.constant 2048 : i32
    %parallel_loop3A_13 = arith.constant 1 : i32
    scf.for %parallel_loop3A_29 = %parallel_loop3A to %parallel_loop3A_12 step %parallel_loop3A_13  : i32 {
      %parallel_loop3A_30 = arith.constant 16 : i32
      %parallel_loop3A_31 = arith.muli %parallel_loop3A_29, %parallel_loop3A_30 : i32
      %parallel_loop3A_32 = arith.index_cast %parallel_loop3A_31 : i32 to index
      %parallel_loop3A_33 = tpu.vector_load %arg7[%parallel_loop3A_32] {strides = array<i32>} : memref<32768xf32, #tpu.memory_space<vmem>>, vector<16xf32>,
      tpu.vector_store %arg7[%parallel_loop3A_32], %broadcast_in_dim3A_11 {strides = array<i32>} : memref<32768xf32, #tpu.memory_space<vmem>>, vector<16xf32>,
    } {sc.loop_unroll_factor = 8 : i64, sc.parallel_access}
    %add3A_14 = arith.constant 0 : i32
    %add3A_15 = arith.addi %mul3A_2, %add3A_14 : i32
    %dma_start3A = arith.constant 0 : i32
    %dma_start3A_16 = tpu.memref_slice %arg2[%add3A_15, %dma_start3A] : memref<16384x2048xf32, #tpu.memory_space<hbm>> -> memref<16x2048xf32, #tpu.memory_space<hbm>>
    %dma_start3A_17 = arith.constant 0 : i32
    %dma_start3A_18 = tpu.memref_slice %arg2[%add3A_15, %dma_start3A_17] : memref<16384x2048xf32, #tpu.memory_space<hbm>> -> memref<16x2048xf32, #tpu.memory_space<hbm>>
    tpu.enqueue_dma source(%dma_start3A_18 : memref<16x2048xf32, #tpu.memory_space<hbm>>) target(%arg5 : memref<16x2048xf32, #tpu.memory_space<vmem>>) target_semaphore(%arg10 : memref<!tpu.dma_semaphore, #tpu.memory_space<semaphore_mem>>)
    %scan3A = arith.constant 0 : i32
    %scan3A_19 = arith.constant 0 : i32
    %scan3A_20 = arith.constant 16 : i32
    %scan3A_21 = arith.addi %scan3A_19, %scan3A_20 : i32
    %scan3A_22 = arith.constant 1 : i32
    scf.for %scan3A_29 = %scan3A_19 to %scan3A_21 step %scan3A_22  : i32 {
      %mul3A_30 = arith.constant 2 : i32
      %mul3A_31 = arith.muli %mul3A_30, %scan3A_29 : i32
      %add3A_32 = arith.constant 1 : i32
      %add3A_33 = arith.addi %mul3A_31, %add3A_32 : i32
      %mul3A_34 = arith.constant 16 : i32
      %mul3A_35 = arith.muli %add3A_33, %mul3A_34 : i32
      %add3A_36 = arith.addi %mul3A_2, %mul3A_35 : i32
      %dma_start3A_37 = arith.constant 0 : i32
      %dma_start3A_38 = tpu.memref_slice %arg2[%add3A_36, %dma_start3A_37] : memref<16384x2048xf32, #tpu.memory_space<hbm>> -> memref<16x2048xf32, #tpu.memory_space<hbm>>
      %dma_start3A_39 = arith.constant 0 : i32
      %dma_start3A_40 = tpu.memref_slice %arg2[%add3A_36, %dma_start3A_39] : memref<16384x2048xf32, #tpu.memory_space<hbm>> -> memref<16x2048xf32, #tpu.memory_space<hbm>>
      tpu.enqueue_dma source(%dma_start3A_40 : memref<16x2048xf32, #tpu.memory_space<hbm>>) target(%arg6 : memref<16x2048xf32, #tpu.memory_space<vmem>>) target_semaphore(%arg11 : memref<!tpu.dma_semaphore, #tpu.memory_space<semaphore_mem>>)
      %dma_wait3A = arith.constant 0 : i32
      %dma_wait3A_41 = tpu.memref_slice %arg2[%mul3A_2, %dma_wait3A] : memref<16384x2048xf32, #tpu.memory_space<hbm>> -> memref<16x2048xf32, #tpu.memory_space<hbm>>
      %dma_wait3A_42 = arith.constant 0 : i32
      %dma_wait3A_43 = tpu.memref_slice %arg2[%mul3A_2, %dma_wait3A_42] : memref<16384x2048xf32, #tpu.memory_space<hbm>> -> memref<16x2048xf32, #tpu.memory_space<hbm>>
      tpu.wait_dma2 semaphore(%arg10 : memref<!tpu.dma_semaphore, #tpu.memory_space<semaphore_mem>>) src(%dma_wait3A_43 : memref<16x2048xf32, #tpu.memory_space<hbm>>) dst(%arg5 : memref<16x2048xf32, #tpu.memory_space<vmem>>)
      %parallel_loop3A_44 = arith.constant 0 : i32
      %parallel_loop3A_45 = arith.constant 2048 : i32
      %parallel_loop3A_46 = arith.constant 1 : i32
      scf.for %parallel_loop3A_56 = %parallel_loop3A_44 to %parallel_loop3A_45 step %parallel_loop3A_46  : i32 {
        %parallel_loop3A_57 = arith.constant 7 : i32
        %parallel_loop3A_58 = arith.shrsi %parallel_loop3A_56, %parallel_loop3A_57 : i32
        %parallel_loop3A_59 = arith.constant 127 : i32
        %parallel_loop3A_60 = arith.andi %parallel_loop3A_56, %parallel_loop3A_59 : i32
        %parallel_loop3A_61 = arith.constant 16 : i32
        %parallel_loop3A_62 = arith.muli %parallel_loop3A_60, %parallel_loop3A_61 : i32
        %parallel_loop3A_63 = arith.index_cast %parallel_loop3A_58 : i32 to index
        %parallel_loop3A_64 = arith.index_cast %parallel_loop3A_62 : i32 to index
        %parallel_loop3A_65 = tpu.vector_load %arg5[%parallel_loop3A_63, %parallel_loop3A_64] {strides = array<i32>} : memref<16x2048xf32, #tpu.memory_space<vmem>>, vector<16xf32>,
        %parallel_loop3A_66 = arith.subf %parallel_loop3A_65, %get3A_3 : vector<16xf32>
        %parallel_loop3A_67 = arith.divf %parallel_loop3A_66, %get3A_5 : vector<16xf32>
        %parallel_loop3A_68 = arith.fptosi %parallel_loop3A_67 : vector<16xf32> to vector<16xi32>
        %parallel_loop3A_69 = vector.bitcast %parallel_loop3A_68 : vector<16xi32> to vector<16xi32>
        %parallel_loop3A_70 = arith.constant 2047 : i32
        %parallel_loop3A_71 = vector.broadcast %parallel_loop3A_70 : i32 to vector<16xi32>
        %parallel_loop3A_72 = arith.minui %parallel_loop3A_69, %parallel_loop3A_71 : vector<16xi32>
        %parallel_loop3A_73 = arith.addi %parallel_loop3A_72, %bitcast3A : vector<16xi32>
        %parallel_loop3A_74 = vector.bitcast %parallel_loop3A_73 : vector<16xi32> to vector<16xi32>
        tpu.vector_store_idx %arg7[%parallel_loop3A_74], %broadcast_in_dim3A_9 {add = true} : memref<32768xf32, #tpu.memory_space<vmem>>[vector<16xi32>], vector<16xf32>,
      } {sc.loop_unroll_factor = 8 : i64, sc.parallel_access}
      %lt3A = arith.constant 15 : i32
      %lt3A_47 = arith.cmpi slt, %scan3A_29, %lt3A : i32
      %convert_element_type3A = arith.extui %lt3A_47 : i1 to i32
      %cond3A = arith.constant 0 : i32
      %cond3A_48 = arith.cmpi ne, %convert_element_type3A, %cond3A : i32
      scf.if %cond3A_48 {
        %mul3A_56 = arith.constant 2 : i32
        %mul3A_57 = arith.muli %mul3A_56, %scan3A_29 : i32
        %add3A_58 = arith.constant 2 : i32
        %add3A_59 = arith.addi %mul3A_57, %add3A_58 : i32
        %mul3A_60 = arith.constant 16 : i32
        %mul3A_61 = arith.muli %add3A_59, %mul3A_60 : i32
        %add3A_62 = arith.addi %mul3A_2, %mul3A_61 : i32
        %dma_start3A_63 = arith.constant 0 : i32
        %dma_start3A_64 = tpu.memref_slice %arg2[%add3A_62, %dma_start3A_63] : memref<16384x2048xf32, #tpu.memory_space<hbm>> -> memref<16x2048xf32, #tpu.memory_space<hbm>>
        %dma_start3A_65 = arith.constant 0 : i32
        %dma_start3A_66 = tpu.memref_slice %arg2[%add3A_62, %dma_start3A_65] : memref<16384x2048xf32, #tpu.memory_space<hbm>> -> memref<16x2048xf32, #tpu.memory_space<hbm>>
        tpu.enqueue_dma source(%dma_start3A_66 : memref<16x2048xf32, #tpu.memory_space<hbm>>) target(%arg5 : memref<16x2048xf32, #tpu.memory_space<vmem>>) target_semaphore(%arg10 : memref<!tpu.dma_semaphore, #tpu.memory_space<semaphore_mem>>)
      } else {
      }
      %dma_wait3A_49 = arith.constant 0 : i32
      %dma_wait3A_50 = tpu.memref_slice %arg2[%mul3A_2, %dma_wait3A_49] : memref<16384x2048xf32, #tpu.memory_space<hbm>> -> memref<16x2048xf32, #tpu.memory_space<hbm>>
      %dma_wait3A_51 = arith.constant 0 : i32
      %dma_wait3A_52 = tpu.memref_slice %arg2[%mul3A_2, %dma_wait3A_51] : memref<16384x2048xf32, #tpu.memory_space<hbm>> -> memref<16x2048xf32, #tpu.memory_space<hbm>>
      tpu.wait_dma2 semaphore(%arg11 : memref<!tpu.dma_semaphore, #tpu.memory_space<semaphore_mem>>) src(%dma_wait3A_52 : memref<16x2048xf32, #tpu.memory_space<hbm>>) dst(%arg6 : memref<16x2048xf32, #tpu.memory_space<vmem>>)
      %parallel_loop3A_53 = arith.constant 0 : i32
      %parallel_loop3A_54 = arith.constant 2048 : i32
      %parallel_loop3A_55 = arith.constant 1 : i32
      scf.for %parallel_loop3A_56 = %parallel_loop3A_53 to %parallel_loop3A_54 step %parallel_loop3A_55  : i32 {
        %parallel_loop3A_57 = arith.constant 7 : i32
        %parallel_loop3A_58 = arith.shrsi %parallel_loop3A_56, %parallel_loop3A_57 : i32
        %parallel_loop3A_59 = arith.constant 127 : i32
        %parallel_loop3A_60 = arith.andi %parallel_loop3A_56, %parallel_loop3A_59 : i32
        %parallel_loop3A_61 = arith.constant 16 : i32
        %parallel_loop3A_62 = arith.muli %parallel_loop3A_60, %parallel_loop3A_61 : i32
        %parallel_loop3A_63 = arith.index_cast %parallel_loop3A_58 : i32 to index
        %parallel_loop3A_64 = arith.index_cast %parallel_loop3A_62 : i32 to index
        %parallel_loop3A_65 = tpu.vector_load %arg6[%parallel_loop3A_63, %parallel_loop3A_64] {strides = array<i32>} : memref<16x2048xf32, #tpu.memory_space<vmem>>, vector<16xf32>,
        %parallel_loop3A_66 = arith.subf %parallel_loop3A_65, %get3A_3 : vector<16xf32>
        %parallel_loop3A_67 = arith.divf %parallel_loop3A_66, %get3A_5 : vector<16xf32>
        %parallel_loop3A_68 = arith.fptosi %parallel_loop3A_67 : vector<16xf32> to vector<16xi32>
        %parallel_loop3A_69 = vector.bitcast %parallel_loop3A_68 : vector<16xi32> to vector<16xi32>
        %parallel_loop3A_70 = arith.constant 2047 : i32
        %parallel_loop3A_71 = vector.broadcast %parallel_loop3A_70 : i32 to vector<16xi32>
        %parallel_loop3A_72 = arith.minui %parallel_loop3A_69, %parallel_loop3A_71 : vector<16xi32>
        %parallel_loop3A_73 = arith.addi %parallel_loop3A_72, %bitcast3A : vector<16xi32>
        %parallel_loop3A_74 = vector.bitcast %parallel_loop3A_73 : vector<16xi32> to vector<16xi32>
        tpu.vector_store_idx %arg7[%parallel_loop3A_74], %broadcast_in_dim3A_9 {add = true} : memref<32768xf32, #tpu.memory_space<vmem>>[vector<16xi32>], vector<16xf32>,
      } {sc.loop_unroll_factor = 8 : i64, sc.parallel_access}
    }
    %scan3A_23 = arith.constant 16 : i32
    %parallel_loop3A_24 = arith.constant 0 : i32
    %parallel_loop3A_25 = arith.constant 128 : i32
    %parallel_loop3A_26 = arith.constant 1 : i32
    scf.for %parallel_loop3A_29 = %parallel_loop3A_24 to %parallel_loop3A_25 step %parallel_loop3A_26  : i32 {
      %parallel_loop3A_30 = arith.constant 16 : i32
      %parallel_loop3A_31 = arith.muli %parallel_loop3A_29, %parallel_loop3A_30 : i32
      %parallel_loop3A_32 = arith.constant 0 : i32
      %parallel_loop3A_33 = arith.addi %parallel_loop3A_32, %parallel_loop3A_31 : i32
      %parallel_loop3A_34 = arith.index_cast %parallel_loop3A_33 : i32 to index
      %parallel_loop3A_35 = tpu.vector_load %arg7[%parallel_loop3A_34] {strides = array<i32>} : memref<32768xf32, #tpu.memory_space<vmem>>, vector<16xf32>,
      %parallel_loop3A_36 = arith.addf %broadcast_in_dim3A_11, %parallel_loop3A_35 : vector<16xf32>
      %parallel_loop3A_37 = arith.constant 16 : i32
      %parallel_loop3A_38 = arith.muli %parallel_loop3A_29, %parallel_loop3A_37 : i32
      %parallel_loop3A_39 = arith.constant 2048 : i32
      %parallel_loop3A_40 = arith.addi %parallel_loop3A_39, %parallel_loop3A_38 : i32
      %parallel_loop3A_41 = arith.index_cast %parallel_loop3A_40 : i32 to index
      %parallel_loop3A_42 = tpu.vector_load %arg7[%parallel_loop3A_41] {strides = array<i32>} : memref<32768xf32, #tpu.memory_space<vmem>>, vector<16xf32>,
      %parallel_loop3A_43 = arith.addf %parallel_loop3A_36, %parallel_loop3A_42 : vector<16xf32>
      %parallel_loop3A_44 = arith.constant 16 : i32
      %parallel_loop3A_45 = arith.muli %parallel_loop3A_29, %parallel_loop3A_44 : i32
      %parallel_loop3A_46 = arith.constant 4096 : i32
      %parallel_loop3A_47 = arith.addi %parallel_loop3A_46, %parallel_loop3A_45 : i32
      %parallel_loop3A_48 = arith.index_cast %parallel_loop3A_47 : i32 to index
      %parallel_loop3A_49 = tpu.vector_load %arg7[%parallel_loop3A_48] {strides = array<i32>} : memref<32768xf32, #tpu.memory_space<vmem>>, vector<16xf32>,
      %parallel_loop3A_50 = arith.addf %parallel_loop3A_43, %parallel_loop3A_49 : vector<16xf32>
      %parallel_loop3A_51 = arith.constant 16 : i32
      %parallel_loop3A_52 = arith.muli %parallel_loop3A_29, %parallel_loop3A_51 : i32
      %parallel_loop3A_53 = arith.constant 6144 : i32
      %parallel_loop3A_54 = arith.addi %parallel_loop3A_53, %parallel_loop3A_52 : i32
      %parallel_loop3A_55 = arith.index_cast %parallel_loop3A_54 : i32 to index
      %parallel_loop3A_56 = tpu.vector_load %arg7[%parallel_loop3A_55] {strides = array<i32>} : memref<32768xf32, #tpu.memory_space<vmem>>, vector<16xf32>,
      %parallel_loop3A_57 = arith.addf %parallel_loop3A_50, %parallel_loop3A_56 : vector<16xf32>
      %parallel_loop3A_58 = arith.constant 16 : i32
      %parallel_loop3A_59 = arith.muli %parallel_loop3A_29, %parallel_loop3A_58 : i32
      %parallel_loop3A_60 = arith.constant 8192 : i32
      %parallel_loop3A_61 = arith.addi %parallel_loop3A_60, %parallel_loop3A_59 : i32
      %parallel_loop3A_62 = arith.index_cast %parallel_loop3A_61 : i32 to index
      %parallel_loop3A_63 = tpu.vector_load %arg7[%parallel_loop3A_62] {strides = array<i32>} : memref<32768xf32, #tpu.memory_space<vmem>>, vector<16xf32>,
      %parallel_loop3A_64 = arith.addf %parallel_loop3A_57, %parallel_loop3A_63 : vector<16xf32>
      %parallel_loop3A_65 = arith.constant 16 : i32
      %parallel_loop3A_66 = arith.muli %parallel_loop3A_29, %parallel_loop3A_65 : i32
      %parallel_loop3A_67 = arith.constant 10240 : i32
      %parallel_loop3A_68 = arith.addi %parallel_loop3A_67, %parallel_loop3A_66 : i32
      %parallel_loop3A_69 = arith.index_cast %parallel_loop3A_68 : i32 to index
      %parallel_loop3A_70 = tpu.vector_load %arg7[%parallel_loop3A_69] {strides = array<i32>} : memref<32768xf32, #tpu.memory_space<vmem>>, vector<16xf32>,
      %parallel_loop3A_71 = arith.addf %parallel_loop3A_64, %parallel_loop3A_70 : vector<16xf32>
      %parallel_loop3A_72 = arith.constant 16 : i32
      %parallel_loop3A_73 = arith.muli %parallel_loop3A_29, %parallel_loop3A_72 : i32
      %parallel_loop3A_74 = arith.constant 12288 : i32
      %parallel_loop3A_75 = arith.addi %parallel_loop3A_74, %parallel_loop3A_73 : i32
      %parallel_loop3A_76 = arith.index_cast %parallel_loop3A_75 : i32 to index
      %parallel_loop3A_77 = tpu.vector_load %arg7[%parallel_loop3A_76] {strides = array<i32>} : memref<32768xf32, #tpu.memory_space<vmem>>, vector<16xf32>,
      %parallel_loop3A_78 = arith.addf %parallel_loop3A_71, %parallel_loop3A_77 : vector<16xf32>
      %parallel_loop3A_79 = arith.constant 16 : i32
      %parallel_loop3A_80 = arith.muli %parallel_loop3A_29, %parallel_loop3A_79 : i32
      %parallel_loop3A_81 = arith.constant 14336 : i32
      %parallel_loop3A_82 = arith.addi %parallel_loop3A_81, %parallel_loop3A_80 : i32
      %parallel_loop3A_83 = arith.index_cast %parallel_loop3A_82 : i32 to index
      %parallel_loop3A_84 = tpu.vector_load %arg7[%parallel_loop3A_83] {strides = array<i32>} : memref<32768xf32, #tpu.memory_space<vmem>>, vector<16xf32>,
      %parallel_loop3A_85 = arith.addf %parallel_loop3A_78, %parallel_loop3A_84 : vector<16xf32>
      %parallel_loop3A_86 = arith.constant 16 : i32
      %parallel_loop3A_87 = arith.muli %parallel_loop3A_29, %parallel_loop3A_86 : i32
      %parallel_loop3A_88 = arith.constant 16384 : i32
      %parallel_loop3A_89 = arith.addi %parallel_loop3A_88, %parallel_loop3A_87 : i32
      %parallel_loop3A_90 = arith.index_cast %parallel_loop3A_89 : i32 to index
      %parallel_loop3A_91 = tpu.vector_load %arg7[%parallel_loop3A_90] {strides = array<i32>} : memref<32768xf32, #tpu.memory_space<vmem>>, vector<16xf32>,
      %parallel_loop3A_92 = arith.addf %parallel_loop3A_85, %parallel_loop3A_91 : vector<16xf32>
      %parallel_loop3A_93 = arith.constant 16 : i32
      %parallel_loop3A_94 = arith.muli %parallel_loop3A_29, %parallel_loop3A_93 : i32
      %parallel_loop3A_95 = arith.constant 18432 : i32
      %parallel_loop3A_96 = arith.addi %parallel_loop3A_95, %parallel_loop3A_94 : i32
      %parallel_loop3A_97 = arith.index_cast %parallel_loop3A_96 : i32 to index
      %parallel_loop3A_98 = tpu.vector_load %arg7[%parallel_loop3A_97] {strides = array<i32>} : memref<32768xf32, #tpu.memory_space<vmem>>, vector<16xf32>,
      %parallel_loop3A_99 = arith.addf %parallel_loop3A_92, %parallel_loop3A_98 : vector<16xf32>
      %parallel_loop3A_100 = arith.constant 16 : i32
      %parallel_loop3A_101 = arith.muli %parallel_loop3A_29, %parallel_loop3A_100 : i32
      %parallel_loop3A_102 = arith.constant 20480 : i32
      %parallel_loop3A_103 = arith.addi %parallel_loop3A_102, %parallel_loop3A_101 : i32
      %parallel_loop3A_104 = arith.index_cast %parallel_loop3A_103 : i32 to index
      %parallel_loop3A_105 = tpu.vector_load %arg7[%parallel_loop3A_104] {strides = array<i32>} : memref<32768xf32, #tpu.memory_space<vmem>>, vector<16xf32>,
      %parallel_loop3A_106 = arith.addf %parallel_loop3A_99, %parallel_loop3A_105 : vector<16xf32>
      %parallel_loop3A_107 = arith.constant 16 : i32
      %parallel_loop3A_108 = arith.muli %parallel_loop3A_29, %parallel_loop3A_107 : i32
      %parallel_loop3A_109 = arith.constant 22528 : i32
      %parallel_loop3A_110 = arith.addi %parallel_loop3A_109, %parallel_loop3A_108 : i32
      %parallel_loop3A_111 = arith.index_cast %parallel_loop3A_110 : i32 to index
      %parallel_loop3A_112 = tpu.vector_load %arg7[%parallel_loop3A_111] {strides = array<i32>} : memref<32768xf32, #tpu.memory_space<vmem>>, vector<16xf32>,
      %parallel_loop3A_113 = arith.addf %parallel_loop3A_106, %parallel_loop3A_112 : vector<16xf32>
      %parallel_loop3A_114 = arith.constant 16 : i32
      %parallel_loop3A_115 = arith.muli %parallel_loop3A_29, %parallel_loop3A_114 : i32
      %parallel_loop3A_116 = arith.constant 24576 : i32
      %parallel_loop3A_117 = arith.addi %parallel_loop3A_116, %parallel_loop3A_115 : i32
      %parallel_loop3A_118 = arith.index_cast %parallel_loop3A_117 : i32 to index
      %parallel_loop3A_119 = tpu.vector_load %arg7[%parallel_loop3A_118] {strides = array<i32>} : memref<32768xf32, #tpu.memory_space<vmem>>, vector<16xf32>,
      %parallel_loop3A_120 = arith.addf %parallel_loop3A_113, %parallel_loop3A_119 : vector<16xf32>
      %parallel_loop3A_121 = arith.constant 16 : i32
      %parallel_loop3A_122 = arith.muli %parallel_loop3A_29, %parallel_loop3A_121 : i32
      %parallel_loop3A_123 = arith.constant 26624 : i32
      %parallel_loop3A_124 = arith.addi %parallel_loop3A_123, %parallel_loop3A_122 : i32
      %parallel_loop3A_125 = arith.index_cast %parallel_loop3A_124 : i32 to index
      %parallel_loop3A_126 = tpu.vector_load %arg7[%parallel_loop3A_125] {strides = array<i32>} : memref<32768xf32, #tpu.memory_space<vmem>>, vector<16xf32>,
      %parallel_loop3A_127 = arith.addf %parallel_loop3A_120, %parallel_loop3A_126 : vector<16xf32>
      %parallel_loop3A_128 = arith.constant 16 : i32
      %parallel_loop3A_129 = arith.muli %parallel_loop3A_29, %parallel_loop3A_128 : i32
      %parallel_loop3A_130 = arith.constant 28672 : i32
      %parallel_loop3A_131 = arith.addi %parallel_loop3A_130, %parallel_loop3A_129 : i32
      %parallel_loop3A_132 = arith.index_cast %parallel_loop3A_131 : i32 to index
      %parallel_loop3A_133 = tpu.vector_load %arg7[%parallel_loop3A_132] {strides = array<i32>} : memref<32768xf32, #tpu.memory_space<vmem>>, vector<16xf32>,
      %parallel_loop3A_134 = arith.addf %parallel_loop3A_127, %parallel_loop3A_133 : vector<16xf32>
      %parallel_loop3A_135 = arith.constant 16 : i32
      %parallel_loop3A_136 = arith.muli %parallel_loop3A_29, %parallel_loop3A_135 : i32
      %parallel_loop3A_137 = arith.constant 30720 : i32
      %parallel_loop3A_138 = arith.addi %parallel_loop3A_137, %parallel_loop3A_136 : i32
      %parallel_loop3A_139 = arith.index_cast %parallel_loop3A_138 : i32 to index
      %parallel_loop3A_140 = tpu.vector_load %arg7[%parallel_loop3A_139] {strides = array<i32>} : memref<32768xf32, #tpu.memory_space<vmem>>, vector<16xf32>,
      %parallel_loop3A_141 = arith.addf %parallel_loop3A_134, %parallel_loop3A_140 : vector<16xf32>
      %parallel_loop3A_142 = arith.constant 16 : i32
      %parallel_loop3A_143 = arith.muli %parallel_loop3A_29, %parallel_loop3A_142 : i32
      %parallel_loop3A_144 = arith.index_cast %parallel_loop3A_143 : i32 to index
      %parallel_loop3A_145 = tpu.vector_load %arg8[%parallel_loop3A_144] {strides = array<i32>} : memref<2048xf32, #tpu.memory_space<vmem>>, vector<16xf32>,
      tpu.vector_store %arg8[%parallel_loop3A_144], %parallel_loop3A_141 {strides = array<i32>} : memref<2048xf32, #tpu.memory_space<vmem>>, vector<16xf32>,
    } {sc.loop_unroll_factor = 2 : i64, sc.parallel_access}
    %mul3A_27 = arith.constant 2048 : i32
    %mul3A_28 = arith.muli %add3A, %mul3A_27 : i32
    "tpu.region"() ({
      %run_scoped3A = tpu.sem_alloc : memref<!tpu.dma_semaphore, #tpu.memory_space<semaphore_mem>>
      %dma_start3A_29 = tpu.memref_slice %arg4[%mul3A_28] : memref<65536xf32, #tpu.memory_space<hbm>> -> memref<2048xf32, #tpu.memory_space<hbm>>
      %dma_start3A_30 = tpu.memref_slice %arg4[%mul3A_28] : memref<65536xf32, #tpu.memory_space<hbm>> -> memref<2048xf32, #tpu.memory_space<hbm>>
      tpu.enqueue_dma source(%arg8 : memref<2048xf32, #tpu.memory_space<vmem>>) target(%dma_start3A_30 : memref<2048xf32, #tpu.memory_space<hbm>>) target_semaphore(%run_scoped3A : memref<!tpu.dma_semaphore, #tpu.memory_space<semaphore_mem>>)
      %dma_wait3A = tpu.memref_slice %arg4[%mul3A_28] : memref<65536xf32, #tpu.memory_space<hbm>> -> memref<2048xf32, #tpu.memory_space<hbm>>
      %dma_wait3A_31 = tpu.memref_slice %arg4[%mul3A_28] : memref<65536xf32, #tpu.memory_space<hbm>> -> memref<2048xf32, #tpu.memory_space<hbm>>
      tpu.wait_dma2 semaphore(%run_scoped3A : memref<!tpu.dma_semaphore, #tpu.memory_space<semaphore_mem>>) src(%arg8 : memref<2048xf32, #tpu.memory_space<vmem>>) dst(%dma_wait3A_31 : memref<2048xf32, #tpu.memory_space<hbm>>)
      tpu.yield
    }) : () -> ()
    return
  }
}

module attributes {stable_mosaic.version = 14 : i64} {
  func.func @_minmax_body(%arg0: i32, %arg1: memref<1024x2048xf32, #tpu.memory_space<vmem>>, %arg2: memref<1x1xf32, #tpu.memory_space<smem>>, %arg3: memref<1x1xf32, #tpu.memory_space<smem>>) attributes {dimension_semantics = [#tpu.dimension_semantics<arbitrary>], iteration_bounds = array<i64: 16>, scalar_prefetch = 0 : i64, scratch_operands = 0 : i64, tpu.core_type = #tpu.core_type<tc>, window_params = [{transform_indices = @transform_0, window_bounds = array<i64: 1024, 2048>}, {transform_indices = @transform_1, window_bounds = array<i64: 1, 1>}, {transform_indices = @transform_2, window_bounds = array<i64: 1, 1>}]} {
    %get3A = arith.constant 0 : index
    %get3A_0 = arith.constant 0 : index
    %get3A_1 = vector.load %arg1[%get3A, %get3A_0] : memref<1024x2048xf32, #tpu.memory_space<vmem>>, vector<1024x2048xf32>
    %reduce_min3A = vector.shape_cast %get3A_1 : vector<1024x2048xf32> to vector<1x1024x2048xf32>
    %reduce_min3A_2 = arith.constant dense<0x7F800000> : vector<1xf32>
    %reduce_min3A_3 = vector.multi_reduction <minimumf>, %reduce_min3A, %reduce_min3A_2 [1, 2] : vector<1x1024x2048xf32> to vector<1xf32>
    %reduce_min3A_4 = vector.shape_cast %reduce_min3A_3 : vector<1xf32> to vector<1x1x1xf32>
    %reduce_min3A_5 = vector.extract %reduce_min3A_4[0, 0, 0] : f32 from vector<1x1x1xf32>
    %get3A_6 = arith.constant 0 : index
    %get3A_7 = arith.constant 0 : index
    %get3A_8 = vector.load %arg1[%get3A_6, %get3A_7] : memref<1024x2048xf32, #tpu.memory_space<vmem>>, vector<1024x2048xf32>
    %reduce_max3A = vector.shape_cast %get3A_8 : vector<1024x2048xf32> to vector<1x1024x2048xf32>
    %reduce_max3A_9 = arith.constant dense<0xFF800000> : vector<1xf32>
    %reduce_max3A_10 = vector.multi_reduction <maximumf>, %reduce_max3A, %reduce_max3A_9 [1, 2] : vector<1x1024x2048xf32> to vector<1xf32>
    %reduce_max3A_11 = vector.shape_cast %reduce_max3A_10 : vector<1xf32> to vector<1x1x1xf32>
    %reduce_max3A_12 = vector.extract %reduce_max3A_11[0, 0, 0] : f32 from vector<1x1x1xf32>
    %eq3A = arith.constant 0 : i32
    %eq3A_13 = arith.cmpi eq, %arg0, %eq3A : i32
    %convert_element_type3A = arith.extui %eq3A_13 : i1 to i32
    %cond3A = arith.constant 0 : i32
    %cond3A_14 = arith.cmpi ne, %convert_element_type3A, %cond3A : i32
    scf.if %cond3A_14 {
      %swap3A = arith.constant 0 : index
      %swap3A_19 = arith.constant 0 : index
      %swap3A_20 = memref.load %arg2[%swap3A, %swap3A_19] : memref<1x1xf32, #tpu.memory_space<smem>>
      memref.store %reduce_min3A_5, %arg2[%swap3A, %swap3A_19] : memref<1x1xf32, #tpu.memory_space<smem>>
      %swap3A_21 = arith.constant 0 : index
      %swap3A_22 = arith.constant 0 : index
      %swap3A_23 = memref.load %arg3[%swap3A_21, %swap3A_22] : memref<1x1xf32, #tpu.memory_space<smem>>
      memref.store %reduce_max3A_12, %arg3[%swap3A_21, %swap3A_22] : memref<1x1xf32, #tpu.memory_space<smem>>
    } else {
    }
    %ne3A = arith.constant 0 : i32
    %ne3A_15 = arith.cmpi ne, %arg0, %ne3A : i32
    %convert_element_type3A_16 = arith.extui %ne3A_15 : i1 to i32
    %cond3A_17 = arith.constant 0 : i32
    %cond3A_18 = arith.cmpi ne, %convert_element_type3A_16, %cond3A_17 : i32
    scf.if %cond3A_18 {
      %get3A_19 = arith.constant 0 : index
      %get3A_20 = arith.constant 0 : index
      %get3A_21 = memref.load %arg2[%get3A_19, %get3A_20] : memref<1x1xf32, #tpu.memory_space<smem>>
      %min3A = arith.minimumf %get3A_21, %reduce_min3A_5 : f32
      %swap3A = arith.constant 0 : index
      %swap3A_22 = arith.constant 0 : index
      %swap3A_23 = memref.load %arg2[%swap3A, %swap3A_22] : memref<1x1xf32, #tpu.memory_space<smem>>
      memref.store %min3A, %arg2[%swap3A, %swap3A_22] : memref<1x1xf32, #tpu.memory_space<smem>>
      %get3A_24 = arith.constant 0 : index
      %get3A_25 = arith.constant 0 : index
      %get3A_26 = memref.load %arg3[%get3A_24, %get3A_25] : memref<1x1xf32, #tpu.memory_space<smem>>
      %max3A = arith.maximumf %get3A_26, %reduce_max3A_12 : f32
      %swap3A_27 = arith.constant 0 : index
      %swap3A_28 = arith.constant 0 : index
      %swap3A_29 = memref.load %arg3[%swap3A_27, %swap3A_28] : memref<1x1xf32, #tpu.memory_space<smem>>
      memref.store %max3A, %arg3[%swap3A_27, %swap3A_28] : memref<1x1xf32, #tpu.memory_space<smem>>
    } else {
    }
    return
  }
  func.func @transform_0(%arg0: i32) -> (i32, i32) {
    %c0_i32 = arith.constant 0 : i32
    %c0_i32_0 = arith.constant 0 : i32
    return %arg0, %c0_i32 : i32, i32
  }
  func.func @transform_1(%arg0: i32) -> (i32, i32) {
    %c0_i32 = arith.constant 0 : i32
    %c0_i32_0 = arith.constant 0 : i32
    %c0_i32_1 = arith.constant 0 : i32
    return %c0_i32, %c0_i32_0 : i32, i32
  }
  func.func @transform_2(%arg0: i32) -> (i32, i32) {
    %c0_i32 = arith.constant 0 : i32
    %c0_i32_0 = arith.constant 0 : i32
    %c0_i32_1 = arith.constant 0 : i32
    return %c0_i32, %c0_i32_0 : i32, i32
  }
}

</mosaic_0001>

<sc_bundles>
// kernel: kernel.4.cloned.1.call-start
scs
__scs_entry_jumppad:
0x0: {  	(pc) =	sbr.rel $0x88, $3  }
0x1: {  	(tag) =	ssettag $0x0;
	lr =	simm.s32 $0x1  }
0x2: {  	[smem:$0x3FA0] =	sst lr;
	_ =	strace $0xD0000000  }
0x3: {  	_ = 	snop  }
0x4: {  	_ = 	snop  }
0x5: {  	_ = 	snop  }
0x6: {  	_ = 	snop  }
0x7: {  	_ = 	snop  }
__scs_overlays_trampoline_lowered:
0x8: {  	[smem:$0x3FAF] =	sst s0  }
0x9: {  	[smem:$0x3FB0] =	sst s1  }
0xa: {  	[smem:$0x3FB1] =	sst s2  }
0xb: {  	[smem:$0x3FB2] =	sst s3  }
0xc: {  	[smem:$0x3FB3] =	sst s4  }
0xd: {  	[smem:$0x3FB4] =	sst s5  }
0xe: {  	[smem:$0x3FB5] =	sst s6  }
0xf: {  	[smem:$0x3FB6] =	sst s7  }
0x10: {  	[smem:$0x3FB7] =	sst s8  }
0x11: {  	[smem:$0x3FB8] =	sst s9;
	s0 =	simm.s32 @!p0 $0x0  }
0x12: {  	s1 =	sld [smem:$0x3F9E];
	s0 =	simm.s32 @p0 $0x1  }
0x13: {  	[smem:$0x3FB9] =	sst s0;
	s0 =	simm.s32 @!p1 $0x0  }
0x14: {  	s2 =	sld [smem:$0x3F9D];
	s0 =	simm.s32 @p1 $0x1  }
0x15: {  	[smem:$0x3FBA] =	sst s0;
	s0 =	simm.s32 @!p2 $0x0  }
0x16: {  	s3 =	sld [smem:$0x3FDB];
	s0 =	simm.s32 @p2 $0x1  }
0x17: {  	s4 =	simm.s32 $0x1BF5;
	[smem:$0x3FBC] =	sst s0  }
0x18: {  	s0 =	sld [smem:$0x3F9F];
	_ =	swait.ge [sflag:s4], $0x0  }
0x19: {  	s7 =	sld [smem:$0x3FA0]  }
0x1a: {  	s8 =	sadd.s32 $0xFFFFE003, lr  }
0x1b: {  	s9 =	sadd.s32 $0xFFFFFEF7, lr;
	s5 =	simm.s32 $0xFFFFFFFF;
	p2 =	slt.u32 s8, $0xFFFFF086  }
0x1c: {  	p1 =	slt.u32 s9, $0xF7A;
	s5 =	simm.s32 @!p2 $0x0  }
0x1d: {  	s5 =	simm.s32 @p1 $0x1;
	p0 =	seq.s32 s7, s2  }
0x1e: {  	s7 =	smul.u32 @!p0 $0xF7A, s2;
	p2 =	seq.s32 @!p0 s5, $0x0  }
0x1f: {  	s9 =	smul.u32 $0xF7A, s1;
	s8 =	simm.s32 @!p0 $0x1BF5;
	p2 =	por !p2, p0  }
0x20: {  	[sflag:s8] =	ssyncset.s32 @!p0 $0xFFFFF086;
	s6 =	sadd.s32 @!p0 s3, s7;
	s7 =	simm.s32 @!p0 $0x108  }
0x21: {  	s3 =	sadd.s32 s3, s9;
	s6 =	sadd.s32 @!p0 $0x88, s6;
	s7 =	simm.s32 @p2 $0x1082  }
0x22: {  	[simem:s7], [sflag:s8] =	dma.local @!p0 [hbm:s6], $0xF7A  }
0x23: {  	s9 =	sor.u32 $0xD0000000, s2;
	s6 =	simm.s32 $0x108;
	_ =	swait.ge @!p0 [sflag:s8], $0x0  }
0x24: {  	s3 =	sadd.s32 $0x88, s3;
	s6 =	simm.s32 @!p1 $0x1082;
	[sflag:s4] =	ssyncset.s32 $0xFFFFF086  }
0x25: {  	[simem:s6], [sflag:s4] =	dma.local [hbm:s3], $0xF7A  }
0x26: {  	[smem:$0x3FA0] =	sst s1;
	(tag) =	ssettag s2;
	_ =	strace s9  }
0x27: {  	s1 =	sld [smem:$0x3FB0]  }
0x28: {  	s2 =	sld [smem:$0x3FB1]  }
0x29: {  	s4 =	sld [smem:$0x3FB3]  }
0x2a: {  	p0 =	seq.s32 s5, $0x0;
	s5 =	sld [smem:$0x3FB4]  }
0x2b: {  	s6 =	sld [smem:$0x3FB5]  }
0x2c: {  	s7 =	sld [smem:$0x3FB6]  }
0x2d: {  	s3 =	simm.s32 $0x108;
	s8 =	sld [smem:$0x3FB7]  }
0x2e: {  	s3 =	simm.s32 @!p0 $0x1082;
	s9 =	sld [smem:$0x3FB8]  }
0x2f: {  	lr =	sadd.s32 s0, s3;
	s0 =	sld [smem:$0x3FAF]  }
0x30: {  	s3 =	sld [smem:$0x3FB2]  }
0x31: {  	[smem:$0x3FBB] =	sst s10  }
0x32: {  	s10 =	sld [smem:$0x3FB9];
	_ =	sdelay $0x3  }
0x33: {  	p0 =	seq.s32 s10, $0x1;
	s10 =	sld [smem:$0x3FBB];
	_ =	sdelay $0x3  }
0x34: {  	[smem:$0x3FBB] =	sst s10  }
0x35: {  	s10 =	sld [smem:$0x3FBA];
	_ =	sdelay $0x3  }
0x36: {  	p1 =	seq.s32 s10, $0x1;
	s10 =	sld [smem:$0x3FBB];
	_ =	sdelay $0x3  }
0x37: {  	[smem:$0x3FBB] =	sst s10  }
0x38: {  	s10 =	sld [smem:$0x3FBC]  }
0x39: {  	_ = 	snop;
	(pc) =	sbr.ind lr, $3  }
0x3a: {  	_ = 	snop  }
0x3b: {  	_ = 	snop  }
0x3c: {  	p2 =	seq.s32 s10, $0x1;
	s10 =	sld [smem:$0x3FBB]  }
0x3d: {  	_ =	shalt  }
0x3e: {  	_ =	shalt  }
0x3f: {  	_ =	shalt  }
0x40: {  	_ =	shalt  }
0x41: {  	_ =	shalt  }
0x42: {  	_ =	shalt  }
0x43: {  	_ =	shalt  }
0x44: {  	_ =	shalt  }
0x45: {  	_ =	shalt  }
0x46: {  	_ =	shalt  }
0x47: {  	_ =	shalt  }
0x48: {  	_ =	shalt  }
0x49: {  	_ =	shalt  }
0x4a: {  	_ =	shalt  }
0x4b: {  	_ =	shalt  }
0x4c: {  	_ =	shalt  }
0x4d: {  	_ =	shalt  }
0x4e: {  	_ =	shalt  }
0x4f: {  	_ =	shalt  }
0x50: {  	_ =	shalt  }
0x51: {  	_ =	shalt  }
0x52: {  	_ =	shalt  }
0x53: {  	_ =	shalt  }
0x54: {  	_ =	shalt  }
0x55: {  	_ =	shalt  }
0x56: {  	_ =	shalt  }
0x57: {  	_ =	shalt  }
0x58: {  	_ =	shalt  }
0x59: {  	_ =	shalt  }
0x5a: {  	_ =	shalt  }
0x5b: {  	_ =	shalt  }
0x5c: {  	_ =	shalt  }
0x5d: {  	_ =	shalt  }
0x5e: {  	_ =	shalt  }
0x5f: {  	_ =	shalt  }
0x60: {  	_ =	shalt  }
0x61: {  	_ =	shalt  }
0x62: {  	_ =	shalt  }
0x63: {  	_ =	shalt  }
0x64: {  	_ =	shalt  }
0x65: {  	_ =	shalt  }
0x66: {  	_ =	shalt  }
0x67: {  	_ =	shalt  }
0x68: {  	_ =	shalt  }
0x69: {  	_ =	shalt  }
0x6a: {  	_ =	shalt  }
0x6b: {  	_ =	shalt  }
0x6c: {  	_ =	shalt  }
0x6d: {  	_ =	shalt  }
0x6e: {  	_ =	shalt  }
0x6f: {  	_ =	shalt  }
0x70: {  	_ =	shalt  }
0x71: {  	_ =	shalt  }
0x72: {  	_ =	shalt  }
0x73: {  	_ =	shalt  }
0x74: {  	_ =	shalt  }
0x75: {  	_ =	shalt  }
0x76: {  	_ =	shalt  }
0x77: {  	_ =	shalt  }
0x78: {  	_ =	shalt  }
0x79: {  	_ =	shalt  }
0x7a: {  	_ =	shalt  }
0x7b: {  	_ =	shalt  }
0x7c: {  	_ =	shalt  }
0x7d: {  	_ =	shalt  }
0x7e: {  	_ =	shalt  }
0x7f: {  	_ =	shalt  }
0x80: {  	_ =	shalt  }
0x81: {  	_ =	shalt  }
0x82: {  	_ =	shalt  }
0x83: {  	_ =	shalt  }
0x84: {  	_ =	shalt  }
0x85: {  	_ =	shalt  }
0x86: {  	_ =	shalt  }
0x87: {  	_ =	shalt  }
.Lfunc_end0:
.L_simem_size_0:
called_computation_lowered:
.L_overlay_start_0:
0x88: {  	s2 =	sld [smem:$0x3FD9]  }
0x89: {  	s3 =	sld [smem:$0x3FFE];
	_ =	sdelay $0x1  }
0x8a: {  	s1 =	srdreg.scid  }
0x8b: {  	s0 =	sand.u32 $0x1, s1  }
0x8c: {  	s15 =	sshll.u32 s0, $0xA;
	s2 =	sadd.s32 s3, s2  }
0x8d: {  	s2 =	sadd.s32 s2, s15  }
0x8e: {  	[smem:$0x3FC7] =	sst s2  }
0x8f: {  	_ = 	snop  }
0x90: {  	s2 =	sld [smem:$0x3FD0];
	_ =	sdelay $0x2  }
0x91: {  	s4 =	simm.s32 $0xA;
	s5 =	simm.s32 $0x10;
	s16 =	sld [smem:$0x3FC9]  }
0x92: {  	[smem:s5], [sflag:s4] =	dma.local [hbm:s2], $0x1  }
0x93: {  	_ =	swait.eq [sflag:s4], $0x1  }
0x94: {  	[sflag:s4] =	ssyncset.done $0x0  }
0x95: {  	s17 =	sld [smem:$0x10];
	[sflag:s4] =	ssyncadd.s32 $0xFFFFFFFF  }
0x96: {  	s18 =	sld [smem:$0x11];
	(tm) =	ssettm $0x1  }
0x97: {  	s19 =	sld [smem:$0x3FFB];
	_ =	sdelay $0x3  }
0x98: {  	_ =	strace s19  }
0x99: {  	s5 =	sld [smem:$0x3FFC];
	_ =	sdelay $0x3  }
0x9a: {  	_ =	strace s5  }
0x9b: {  	s5 =	sld [smem:$0x3FFD];
	_ =	sdelay $0x3  }
0x9c: {  	_ =	strace s5  }
0x9d: {  	_ =	strace $0x8FFFFFFF  }
0x9e: {  	s20 =	sld [smem:$0x3FDB];
	_ =	sdelay $0x1  }
0x9f: {  	s6 =	simm.s32 $_scs_section_size  }
0xa0: {  	s7 =	simm.s32 $_size__tile_overlayer_lowered;
	s8 =	simm.s32 $_tile_overlayer_lowered  }
0xa1: {  	s23 =	simm.s32 $0x1BFF;
	s22 =	sshll.u32 s8, $0x1;
	s5 =	sadd.s32 s6, s20  }
0xa2: {  	s9 =	simm.s32 $0x0;
	s21 =	sshll.u32 s7, $0x1;
	s7 =	sadd.s32 s22, s5  }
0xa3: {  	[timem:s9], [sflag:s23] =	dma.local [hbm:s7], s21  }
0xa4: {  	_ =	swait.ge [sflag:s23], s21  }
0xa5: {  	s6 =	ssub.s32 $0x0, s21;
	[sflag:s23] =	ssyncset.done $0x0  }
0xa6: {  	[sflag:s23] =	ssyncadd.s32 s6;
	_ =	sdelay $0x1  }
0xa7: {  	s24 =	simm.s32 $0x1B8B  }
0xa8: {  	_ =	swait.ge [sflag:s24], $0x1  }
0xa9: {  	[sflag:s24] =	ssyncset.done $0x0  }
0xaa: {  	s25 =	simm.s32 $0x1B8E;
	[sflag:s24] =	ssyncadd.s32 $0xFFFFFFFF  }
0xab: {  	s26 =	simm.s32 $execute0_lowered;
	[smem:$0x3FD2] =	sst s25  }
0xac: {  	s6 =	sshll.u32 s26, $0x1;
	_ =	strace $0x80000046;
	[dreg:$0x1] =	wrdreg $0xFFFFFFFF  }
0xad: {  	s28 =	simm.s32 $_size_execute0_lowered;
	s5 =	sadd.s32 s5, s6;
	[dreg:$0x0] =	wrdreg $0x0  }
0xae: {  	s6 =	sshll.u32 s28, $0x1;
	[dreg:$0x2] =	wrdreg s5  }
0xaf: {  	[dreg:$0x3] =	wrdreg s6  }
0xb0: {  	[dreg:$0x4] =	wrdreg $0xC0  }
0xb1: {  	_ =	task [dreg:s9], $0x5FFFF  }
0xb2: {  	[dreg:$0x1] =	wrdreg $0xFFFFFFFF  }
0xb3: {  	[dreg:$0x0] =	wrdreg $0x60  }
0xb4: {  	[dreg:$0x2] =	wrdreg s16  }
0xb5: {  	[dreg:$0x3] =	wrdreg s18  }
0xb6: {  	[dreg:$0x4] =	wrdreg s17  }
0xb7: {  	[dreg:$0x5] =	wrdreg $0x9  }
0xb8: {  	_ =	task.clear_ibuf [dreg:s9], $0x6FFFF;
	_ =	strace $0x90000046  }
0xb9: {  	s29 =	simm.s32 $0x9;
	_ =	strace $0x80000048  }
0xba: {  	_ =	swait.ge [sflag:s29], $0x1  }
0xbb: {  	[sflag:s29] =	ssyncadd.s32 $0xFFFFFFFF  }
0xbc: {  	_ =	strace $0x90000048  }
0xbd: {  	_ =	sfence  }
0xbe: {  	s30 =	sld [smem:$0x0];
	_ =	sdelay $0x2  }
0xbf: {  	s31 =	sshll.u32 s1, $0xD;
	s1 =	sshrl.u32 s1, $0x2  }
0xc0: {  	s3 =	sand.u32 $0x4000, s31;
	s1 =	sadd.s32 s1, s30  }
0xc1: {  	s0 =	sor.u32 s3, s0;
	s1 =	sshll.u32 s1, $0x11  }
0xc2: {  	s0 =	sor.u32 s1, s0  }
0xc3: {  	s0 =	sadd.s32 $0x8F2B, s0  }
0xc4: {  	[sflag:s0] =	ssyncadd.remote.s32 $0x1  }
0xc5: {  	_ =	sfence.sel $0xFFFF  }
0xc6: {  	[dreg:$0x0] =	wrdreg $0xFFFFFFFF;
	(pc) =	sbr.abs _section_cstart, $3  }
0xc7: {  	[dreg:$0x1] =	wrdreg $0xFFFFFFFF  }
0xc8: {  	_ =	task.clear_ibuf [dreg:s9], $0x2FFFF;
	_ =	strace $0x9FFFFFFF  }
0xc9: {  	(tm) =	ssettm $0x7FFFFFFF  }
tec
execute0_lowered:
.L_overlay_start_1:
0x0: {  	(tag) =	ssettag $0x1  }
0x1: {  	s1 =	rddreg [dreg:$0x0]  }
0x2: {  	s2 =	rddreg [dreg:$0x1]  }
0x3: {  	s8 =	rddreg [dreg:$0x2]  }
0x4: {  	s3 =	srdreg.scid;
	s0 =	rddreg [dreg:$0x3];
	s4 =	simm.s32 $0x0  }
0x5: {  	s11 =	simm.s32 $0x3;
	s12 =	simm.s32 $0x8000;
	s13 =	simm.s32 $0x1  }
0x6: {  	s14 =	simm.s32 $0x10000;
	s15 =	simm.s32 $0x2;
	s16 =	simm.s32 $0x18000  }
0x7: {  	s17 =	simm.s32 $0x0;
	s5 =	sand.u32 $0x1, s3;
	s3 =	stileid.u32  }
0x8: {  	[smem:$0x7FF] =	sst s4;
	s6 =	ssub.s32 $0x2, s5;
	s9 =	sshll.u32 s3, $0x1  }
0x9: {  	_ =	strace $0x80000047;
	s7 =	sshrl.u32 s6, $0x1;
	s30 =	sor.u32 s5, s9  }
0xa: {  	s10 =	ssub.s32 s6, s7;
	s5 =	sshll.u32 s30, $0x9;
	s31 =	sshll.u32 s30, $0x11  }
0xb: {  	v1 =	vlaneseq.u32;
	s9 =	sshll.u32 s30, $0x8;
	s6 =	sadd.s32 s1, s31;
	s7 =	sor.u32 $0x20, s5  }
0xc: {  	v0 =	vimm.f32 $0.0e+00;
	v2 =	vimm.f32 $1.000000000e+00;
	v1 =	vmul.u32 $0x800, v1;
	s8 =	sadd.s32 s8, s9;
	s9 =	smax.u32 s10, $0x1;
	s10 =	simm.s32 $0x18800  }
.LBB2_1:
0xd: {  	[tilespmem:s10], [sflag:$0x3] =	stream.linear.gather [hbm4b:s2+s4], $0x80, $0x38;
	[tilespmem:$0x18880] =	vst v63  }
0xe: {  	_ =	swait.ge [sflag:s11], $0x80  }
0xf: {  	[sflag:s11] =	ssyncset.done $0x0  }
0x10: {  	[sflag:s11] =	ssyncadd.s32 $0xFFFFFF80  }
0x11: {  	s18 =	simm.s32 $0x10040;
	v3 =	vld [tilespmem:$0x18800]  }
0x12: {  	v4 =	vld [tilespmem:$0x18810];
	[tilespmem:s18+$0xFFFFFFC0] =	vst v0  }
0x13: {  	[tilespmem:s18+$0x30] =	vst v0  }
0x14: {  	[tilespmem:s18+$0x20] =	vst v0  }
0x15: {  	[tilespmem:s18+$0x10] =	vst v0  }
0x16: {  	[tilespmem:s18+$0x0] =	vst v0  }
0x17: {  	[tilespmem:s18+$0xFFFFFFF0] =	vst v0  }
0x18: {  	s19 =	simm.s32 $0x0;
	[tilespmem:s18+$0xFFFFFFE0] =	vst v0  }
.LBB2_2:
0x19: {  	s19 =	sadd.s32 $0x8, s19;
	[tilespmem:s18+$0xFFFFFFD0] =	vst v0;
	s18 =	sadd.s32 $0x80, s18  }
0x1a: {  	[tilespmem:s18+$0xFFFFFFC0] =	vst v0;
	p0 =	slt.u32 s19, $0x7F8  }
0x1b: {  	[tilespmem:s18+$0x30] =	vst v0  }
.Ltmp0:
0x1c: {  	[tilespmem:s18+$0x20] =	vst v0;
	(pc) =	sbr.rel @p0 .LBB2_2-.Ltmp0, $4  }
0x1d: {  	[tilespmem:s18+$0x10] =	vst v0  }
0x1e: {  	[tilespmem:s18+$0x0] =	vst v0  }
0x1f: {  	[tilespmem:s18+$0xFFFFFFF0] =	vst v0  }
0x20: {  	[tilespmem:s18+$0xFFFFFFE0] =	vst v0  }
0x21: {  	(erf) = vrcp.f32 v4;
	_ =	sdelay $0x7  }
0x22: {  	[tilespmem:s18+$0xFFFFFFD0] =	vst v0;
	s18 =	simm.s32 $0x0;
	s19 =	simm.s32 $0x0  }
0x23: {  	[tilespmem:s18], [sflag:$0x1] =	stream.linear.gather [hbm4b:s6+s18], $0x8000, $0x38;
	v4 =	vpop (erf);
	[tilespmem:$0x18880] =	vst v63  }
.LBB2_4:
0x24: {  	s20 =	sshll.u32 s19, $0x5  }
0x25: {  	s21 =	sadd.s32 s20, s5  }
0x26: {  	s21 =	sshll.u32 s21, $0x8  }
0x27: {  	s21 =	sadd.s32 s1, s21  }
0x28: {  	s25 =	simm.s32 $0x0;
	s21 =	sadd.s32 $0x1000, s21  }
0x29: {  	[tilespmem:s12], [sflag:$0x2] =	stream.linear.gather [hbm4b:s21+s18], $0x8000, $0x38;
	[tilespmem:$0x18880] =	vst v63  }
0x2a: {  	s22 =	sand.u32 $0x4000, s18;
	s23 =	sand.u32 $0x3C00, s18;
	_ =	swait.ge [sflag:s13], $0x8000  }
0x2b: {  	s22 =	sor.u32 s23, s22;
	s21 =	sand.u32 $0x380, s25;
	[sflag:s13] =	ssyncset.done $0x0  }
0x2c: {  	s21 =	sor.u32 s21, s22;
	[sflag:s13] =	ssyncadd.s32 $0xFFFF8000  }
0x2d: {  	v5 =	vld [tilespmem:s21+$0x50]  }
0x2e: {  	v6 =	vld [tilespmem:s21+$0x60]  }
0x2f: {  	v8 =	vld [tilespmem:s21+$0x0]  }
0x30: {  	v9 =	vld [tilespmem:s21+$0x30]  }
0x31: {  	v10 =	vld [tilespmem:s21+$0x70]  }
0x32: {  	s26 =	simm.s32 $0x400;
	s28 =	simm.s32 $0x80;
	v11 =	vld [tilespmem:s21+$0x40]  }
0x33: {  	s29 =	simm.s32 $0x8;
	s23 =	sand.u32 $0x4000, s28;
	s22 =	sand.u32 $0x3C00, s26;
	v12 =	vld [tilespmem:s21+$0x10]  }
0x34: {  	s22 =	sor.u32 s22, s23;
	v7 =	vld [tilespmem:s21+$0x20];
	s21 =	sand.u32 $0x380, s29  }
0x35: {  	s21 =	sor.u32 s21, s22;
	v5 =	vsub.f32 v5, v3;
	v6 =	vsub.f32 v6, v3  }
0x36: {  	v14 =	vld [tilespmem:s21+$0x50];
	v9 =	vsub.f32 v9, v3;
	v10 =	vsub.f32 v10, v3  }
0x37: {  	v15 =	vld [tilespmem:s21+$0x20];
	v11 =	vsub.f32 v11, v3;
	v8 =	vsub.f32 v8, v3;
	v5 =	vmul.f32 v5, v4  }
0x38: {  	v13 =	vld [tilespmem:s21+$0x60];
	v12 =	vsub.f32 v12, v3;
	v6 =	vmul.f32 v6, v4;
	v9 =	vmul.f32 v9, v4  }
0x39: {  	v16 =	vld [tilespmem:s21+$0x40];
	v7 =	vsub.f32 v7, v3;
	v10 =	vmul.f32 v10, v4;
	v11 =	vmul.f32 v11, v4  }
0x3a: {  	v17 =	vld [tilespmem:s21+$0x0];
	v8 =	vmul.f32 v8, v4;
	v12 =	vmul.f32 v12, v4  }
0x3b: {  	v7 =	vmul.f32 v7, v4;
	v14 =	vsub.f32 v14, v3;
	v5 =	vtrunc.f32 v5  }
0x3c: {  	v19 =	vsub.f32 v15, v3;
	v6 =	vtrunc.f32 v6;
	v10 =	vtrunc.f32 v10  }
0x3d: {  	v13 =	vsub.f32 v13, v3;
	v9 =	vtrunc.f32 v9;
	v11 =	vtrunc.f32 v11  }
0x3e: {  	v16 =	vsub.f32 v16, v3;
	v8 =	vtrunc.f32 v8;
	v9 =	vcvt.f32.s32 v9  }
0x3f: {  	v18 =	vld [tilespmem:s21+$0x30];
	v17 =	vsub.f32 v17, v3;
	v14 =	vmul.f32 v14, v4;
	v5 =	vcvt.f32.s32 v5  }
0x40: {  	s30 =	simm.s32 $0x800;
	s31 =	simm.s32 $0x100;
	v20 =	vld [tilespmem:s21+$0x10];
	v13 =	vmul.f32 v13, v4;
	v6 =	vcvt.f32.s32 v6;
	v9 =	vmin.u32 v9, $0x7FF  }
0x41: {  	s23 =	sand.u32 $0x4000, s31;
	s22 =	sand.u32 $0x3C00, s30;
	v10 =	vcvt.f32.s32 v10;
	v5 =	vmin.u32 v5, $0x7FF;
	v15 =	vor.u32 v1, v9;
	v9 =	vld [tilespmem:s21+$0x70];
	s21 =	simm.s32 $0x10  }
0x42: {  	s22 =	sor.u32 s22, s23;
	v12 =	vtrunc.f32 v12;
	v6 =	vmin.u32 v6, $0x7FF;
	v5 =	vor.u32 v1, v5;
	s24 =	sand.u32 $0x380, s21  }
0x43: {  	v11 =	vcvt.f32.s32 v11;
	v10 =	vmin.u32 v10, $0x7FF;
	v6 =	vor.u32 v1, v6;
	s22 =	sor.u32 s24, s22  }
0x44: {  	v7 =	vtrunc.f32 v7;
	v16 =	vmul.f32 v16, v4;
	v10 =	vor.u32 v1, v10;
	v21 =	vld [tilespmem:s22+$0x20]  }
0x45: {  	v8 =	vcvt.f32.s32 v8;
	v14 =	vtrunc.f32 v14;
	v11 =	vmin.u32 v11, $0x7FF;
	v25 =	vld [tilespmem:s22+$0x40]  }
0x46: {  	v23 =	vmul.f32 v17, v4;
	v14 =	vcvt.f32.s32 v14;
	v24 =	vor.u32 v1, v11;
	v11 =	vld [tilespmem:s22+$0x30]  }
0x47: {  	v12 =	vcvt.f32.s32 v12;
	v8 =	vmin.u32 v8, $0x7FF;
	[tilespmem:v5+s14+$0x0] =	vst.idx.add.f32.msk $0xffff, v2;
	v5 =	vsub.f32 v18, v3  }
0x48: {  	[tilespmem:v6+s14+$0x0] =	vst.idx.add.f32.msk $0xffff, v2;
	v6 =	vtrunc.f32 v13;
	v13 =	vmin.u32 v14, $0x7FF;
	v14 =	vsub.f32 v9, v3  }
0x49: {  	v7 =	vcvt.f32.s32 v7;
	v26 =	vor.u32 v1, v8;
	[tilespmem:v10+s14+$0x0] =	vst.idx.add.f32.msk $0xffff, v2;
	v6 =	vcvt.f32.s32 v6  }
0x4a: {  	v10 =	vld [tilespmem:s22+$0x50];
	v22 =	vmul.f32 v5, v4;
	v5 =	vor.u32 v1, v13;
	v13 =	vmul.f32 v14, v4  }
0x4b: {  	v12 =	vmin.u32 v12, $0x7FF;
	v18 =	vld [tilespmem:s22+$0x60];
	v14 =	vsub.f32 v20, v3;
	v6 =	vmin.u32 v6, $0x7FF  }
0x4c: {  	v9 =	vld [tilespmem:s22+$0x0];
	v20 =	vor.u32 v1, v12;
	v13 =	vtrunc.f32 v13;
	v8 =	vor.u32 v1, v6  }
0x4d: {  	[tilespmem:v15+s14+$0x0] =	vst.idx.add.f32.msk $0xffff, v2;
	v6 =	vmin.u32 v7, $0x7FF;
	v15 =	vmul.f32 v14, v4;
	v17 =	vcvt.f32.s32 v13  }
0x4e: {  	[tilespmem:v24+s14+$0x0] =	vst.idx.add.f32.msk $0xffff, v2;
	v13 =	vtrunc.f32 v22;
	v14 =	vor.u32 v1, v6;
	v22 =	vtrunc.f32 v16  }
0x4f: {  	[tilespmem:v26+s14+$0x0] =	vst.idx.add.f32.msk $0xffff, v2;
	v63 =	vsub.f32 v10, v3;
	v6 =	vsub.f32 v21, v3;
	v7 =	vcvt.f32.s32 v13  }
0x50: {  	v12 =	vld [tilespmem:s22+$0x70];
	v21 =	vsub.f32 v18, v3;
	v16 =	vsub.f32 v25, v3;
	v13 =	vmul.f32 v19, v4  }
0x51: {  	v10 =	vld [tilespmem:s22+$0x10];
	v19 =	vtrunc.f32 v23;
	v18 =	vcvt.f32.s32 v22;
	v7 =	vmin.u32 v7, $0x7FF  }
0x52: {  	s23 =	simm.s32 $0x180;
	s22 =	simm.s32 $0xC00;
	v17 =	vmin.u32 v17, $0x7FF;
	[tilespmem:v20+s14+$0x0] =	vst.idx.add.f32.msk $0xffff, v2;
	v20 =	vmul.f32 v63, v4;
	v7 =	vor.u32 v1, v7  }
.LBB2_5:
0x53: {  	s21 =	sadd.s32 $0x8, s21;
	s24 =	sand.u32 $0x4000, s23;
	s25 =	sand.u32 $0x3C00, s22;
	v22 =	vsub.f32 v9, v3;
	v9 =	vmul.f32 v21, v4;
	v19 =	vcvt.f32.s32 v19;
	[tilespmem:v14+s14+$0x0] =	vst.idx.add.f32.msk $0xffff, v2  }
0x54: {  	v15 =	vtrunc.f32 v15;
	v17 =	vor.u32 v1, v17;
	s26 =	sand.u32 $0x380, s21;
	s24 =	sor.u32 s25, s24;
	p0 =	slt.u32 s21, $0x7F8;
	v14 =	vtrunc.f32 v20;
	[tilespmem:v5+s14+$0x0] =	vst.idx.add.f32.msk $0xffff, v2  }
0x55: {  	v5 =	vsub.f32 v11, v3;
	s24 =	sor.u32 s26, s24;
	v11 =	vcvt.f32.s32 v14;
	v14 =	vmin.u32 v19, $0x7FF;
	[tilespmem:v8+s14+$0x0] =	vst.idx.add.f32.msk $0xffff, v2  }
0x56: {  	v15 =	vcvt.f32.s32 v15;
	v18 =	vmin.u32 v18, $0x7FF;
	v8 =	vtrunc.f32 v9;
	v20 =	vld [tilespmem:s24+$0x60]  }
0x57: {  	v12 =	vsub.f32 v12, v3;
	v13 =	vtrunc.f32 v13;
	v21 =	vld [tilespmem:s24+$0x20];
	v11 =	vmin.u32 v11, $0x7FF  }
0x58: {  	v16 =	vmul.f32 v16, v4;
	v19 =	vmul.f32 v5, v4;
	v9 =	vld [tilespmem:s24+$0x0];
	v5 =	vor.u32 v1, v11  }
0x59: {  	v22 =	vmul.f32 v22, v4;
	v11 =	vmul.f32 v12, v4;
	v12 =	vmin.u32 v15, $0x7FF;
	[tilespmem:v17+s14+$0x0] =	vst.idx.add.f32.msk $0xffff, v2  }
0x5a: {  	v13 =	vcvt.f32.s32 v13;
	v18 =	vor.u32 v1, v18;
	v8 =	vcvt.f32.s32 v8;
	v23 =	vld [tilespmem:s24+$0x50]  }
0x5b: {  	v10 =	vsub.f32 v10, v3;
	v25 =	vor.u32 v1, v12;
	v15 =	vtrunc.f32 v11;
	v24 =	vld [tilespmem:s24+$0x40]  }
0x5c: {  	v26 =	vor.u32 v1, v14;
	v8 =	vmin.u32 v8, $0x7FF;
	v17 =	vcvt.f32.s32 v15;
	v11 =	vld [tilespmem:s24+$0x30]  }
0x5d: {  	v13 =	vmin.u32 v13, $0x7FF;
	v14 =	vtrunc.f32 v19;
	v8 =	vor.u32 v1, v8;
	[tilespmem:v7+s14+$0x0] =	vst.idx.add.f32.msk $0xffff, v2  }
.Ltmp1:
0x5e: {  	v15 =	vmul.f32 v10, v4;
	v7 =	vcvt.f32.s32 v14;
	v14 =	vor.u32 v1, v13;
	v12 =	vld [tilespmem:s24+$0x70];
	(pc) =	sbr.rel @p0 .LBB2_5-.Ltmp1, $4  }
0x5f: {  	v27 =	vtrunc.f32 v16;
	v13 =	vmul.f32 v6, v4;
	v17 =	vmin.u32 v17, $0x7FF;
	[tilespmem:v18+s14+$0x0] =	vst.idx.add.f32.msk $0xffff, v2  }
0x60: {  	v19 =	vtrunc.f32 v22;
	v18 =	vsub.f32 v23, v3;
	v7 =	vmin.u32 v7, $0x7FF;
	[tilespmem:v25+s14+$0x0] =	vst.idx.add.f32.msk $0xffff, v2  }
0x61: {  	v6 =	vsub.f32 v21, v3;
	v21 =	vsub.f32 v20, v3;
	v7 =	vor.u32 v1, v7;
	v10 =	vld [tilespmem:s24+$0x10]  }
0x62: {  	s22 =	sadd.s32 $0x400, s22;
	s23 =	sadd.s32 $0x80, s23;
	v16 =	vsub.f32 v24, v3;
	v20 =	vmul.f32 v18, v4;
	v18 =	vcvt.f32.s32 v27;
	[tilespmem:v26+s14+$0x0] =	vst.idx.add.f32.msk $0xffff, v2  }
0x63: {  	v21 =	vmul.f32 v21, v4  }
0x64: {  	v9 =	vsub.f32 v9, v3;
	v19 =	vcvt.f32.s32 v19;
	v15 =	vtrunc.f32 v15  }
0x65: {  	v17 =	vor.u32 v1, v17;
	v13 =	vtrunc.f32 v13;
	v6 =	vmul.f32 v6, v4  }
0x66: {  	v11 =	vsub.f32 v11, v3;
	v20 =	vtrunc.f32 v20;
	v15 =	vcvt.f32.s32 v15  }
0x67: {  	v12 =	vsub.f32 v12, v3;
	v16 =	vmul.f32 v16, v4;
	v13 =	vcvt.f32.s32 v13  }
0x68: {  	v18 =	vmin.u32 v18, $0x7FF;
	v20 =	vcvt.f32.s32 v20;
	v21 =	vtrunc.f32 v21  }
0x69: {  	v19 =	vmin.u32 v19, $0x7FF;
	v11 =	vmul.f32 v11, v4;
	v9 =	vmul.f32 v9, v4  }
0x6a: {  	v12 =	vmul.f32 v12, v4;
	v18 =	vor.u32 v1, v18;
	v6 =	vtrunc.f32 v6  }
0x6b: {  	v15 =	vmin.u32 v15, $0x7FF;
	v21 =	vcvt.f32.s32 v21;
	v10 =	vsub.f32 v10, v3  }
0x6c: {  	[tilespmem:v7+s14+$0x0] =	vst.idx.add.f32.msk $0xffff, v2;
	v13 =	vmin.u32 v13, $0x7FF;
	v7 =	vtrunc.f32 v16;
	v20 =	vmin.u32 v20, $0x7FF  }
0x6d: {  	[tilespmem:v14+s14+$0x0] =	vst.idx.add.f32.msk $0xffff, v2;
	v12 =	vtrunc.f32 v12;
	v14 =	vor.u32 v1, v15;
	v11 =	vtrunc.f32 v11  }
0x6e: {  	[tilespmem:v5+s14+$0x0] =	vst.idx.add.f32.msk $0xffff, v2;
	v13 =	vor.u32 v1, v13;
	v9 =	vtrunc.f32 v9;
	v7 =	vcvt.f32.s32 v7  }
0x6f: {  	[tilespmem:v8+s14+$0x0] =	vst.idx.add.f32.msk $0xffff, v2;
	v5 =	vcvt.f32.s32 v12;
	v12 =	vor.u32 v1, v19;
	v10 =	vmul.f32 v10, v4  }
0x70: {  	v20 =	vor.u32 v1, v20;
	v15 =	vmin.u32 v21, $0x7FF;
	[tilespmem:v17+s14+$0x0] =	vst.idx.add.f32.msk $0xffff, v2;
	v11 =	vcvt.f32.s32 v11  }
0x71: {  	v8 =	vor.u32 v1, v15;
	v5 =	vmin.u32 v5, $0x7FF;
	[tilespmem:v18+s14+$0x0] =	vst.idx.add.f32.msk $0xffff, v2;
	v10 =	vtrunc.f32 v10  }
0x72: {  	v7 =	vmin.u32 v7, $0x7FF;
	v5 =	vor.u32 v1, v5;
	v10 =	vcvt.f32.s32 v10;
	[tilespmem:v14+s14+$0x0] =	vst.idx.add.f32.msk $0xffff, v2  }
0x73: {  	v9 =	vcvt.f32.s32 v9;
	v11 =	vmin.u32 v11, $0x7FF;
	v7 =	vor.u32 v1, v7;
	[tilespmem:v13+s14+$0x0] =	vst.idx.add.f32.msk $0xffff, v2  }
0x74: {  	v6 =	vcvt.f32.s32 v6;
	v11 =	vor.u32 v1, v11;
	[tilespmem:v12+s14+$0x0] =	vst.idx.add.f32.msk $0xffff, v2;
	v10 =	vmin.u32 v10, $0x7FF  }
0x75: {  	v9 =	vmin.u32 v9, $0x7FF;
	[tilespmem:v20+s14+$0x0] =	vst.idx.add.f32.msk $0xffff, v2;
	v10 =	vor.u32 v1, v10  }
0x76: {  	v6 =	vmin.u32 v6, $0x7FF;
	[tilespmem:v8+s14+$0x0] =	vst.idx.add.f32.msk $0xffff, v2;
	v8 =	vor.u32 v1, v9  }
0x77: {  	[tilespmem:v5+s14+$0x0] =	vst.idx.add.f32.msk $0xffff, v2;
	v5 =	vor.u32 v1, v6  }
0x78: {  	[tilespmem:v7+s14+$0x0] =	vst.idx.add.f32.msk $0xffff, v2  }
0x79: {  	p0 =	seq.s32 s19, $0xF;
	[tilespmem:v11+s14+$0x0] =	vst.idx.add.f32.msk $0xffff, v2  }
0x7a: {  	s20 =	sadd.s32 @!p0 s20, s7;
	[tilespmem:v10+s14+$0x0] =	vst.idx.add.f32.msk $0xffff, v2  }
0x7b: {  	s24 =	simm.s32 $0x0;
	s20 =	sshll.u32 @!p0 s20, $0x8;
	[tilespmem:v8+s14+$0x0] =	vst.idx.add.f32.msk $0xffff, v2  }
0x7c: {  	s25 =	simm.s32 $0x0;
	s21 =	simm.s32 @!p0 $0x0;
	s20 =	sadd.s32 @!p0 s1, s20;
	[tilespmem:v5+s14+$0x0] =	vst.idx.add.f32.msk $0xffff, v2  }
0x7d: {  	[tilespmem:s21], [sflag:$0x1] =	stream.linear.gather @!p0 [hbm4b:s20+s21], $0x8000, $0x38;
	[tilespmem:$0x18880] =	vst v63  }
0x7e: {  	s22 =	sand.u32 $0x4000, s24;
	s20 =	sand.u32 $0x3C00, s24;
	_ =	swait.ge [sflag:s15], $0x8000  }
0x7f: {  	s21 =	sand.u32 $0x380, s25;
	s20 =	sor.u32 s20, s22;
	[sflag:s15] =	ssyncset.done $0x0  }
0x80: {  	s20 =	sor.u32 s21, s20;
	[sflag:s15] =	ssyncadd.s32 $0xFFFF8000  }
0x81: {  	v5 =	vld [tilespmem:s20+$0x8050]  }
0x82: {  	v6 =	vld [tilespmem:s20+$0x8060]  }
0x83: {  	v8 =	vld [tilespmem:s20+$0x8000]  }
0x84: {  	v9 =	vld [tilespmem:s20+$0x8030]  }
0x85: {  	v10 =	vld [tilespmem:s20+$0x8070]  }
0x86: {  	s26 =	simm.s32 $0x400;
	s28 =	simm.s32 $0x80;
	v11 =	vld [tilespmem:s20+$0x8040]  }
0x87: {  	s29 =	simm.s32 $0x8;
	s22 =	sand.u32 $0x4000, s28;
	s21 =	sand.u32 $0x3C00, s26;
	v12 =	vld [tilespmem:s20+$0x8010]  }
0x88: {  	s21 =	sor.u32 s21, s22;
	v7 =	vld [tilespmem:s20+$0x8020];
	s20 =	sand.u32 $0x380, s29  }
0x89: {  	s20 =	sor.u32 s20, s21;
	v5 =	vsub.f32 v5, v3;
	v6 =	vsub.f32 v6, v3  }
0x8a: {  	v14 =	vld [tilespmem:s20+$0x8050];
	v9 =	vsub.f32 v9, v3;
	v10 =	vsub.f32 v10, v3  }
0x8b: {  	v15 =	vld [tilespmem:s20+$0x8020];
	v11 =	vsub.f32 v11, v3;
	v8 =	vsub.f32 v8, v3;
	v5 =	vmul.f32 v5, v4  }
0x8c: {  	v13 =	vld [tilespmem:s20+$0x8060];
	v12 =	vsub.f32 v12, v3;
	v6 =	vmul.f32 v6, v4;
	v9 =	vmul.f32 v9, v4  }
0x8d: {  	v16 =	vld [tilespmem:s20+$0x8040];
	v7 =	vsub.f32 v7, v3;
	v10 =	vmul.f32 v10, v4;
	v11 =	vmul.f32 v11, v4  }
0x8e: {  	v17 =	vld [tilespmem:s20+$0x8000];
	v8 =	vmul.f32 v8, v4;
	v12 =	vmul.f32 v12, v4  }
0x8f: {  	v7 =	vmul.f32 v7, v4;
	v14 =	vsub.f32 v14, v3;
	v5 =	vtrunc.f32 v5  }
0x90: {  	v19 =	vsub.f32 v15, v3;
	v6 =	vtrunc.f32 v6;
	v10 =	vtrunc.f32 v10  }
0x91: {  	v13 =	vsub.f32 v13, v3;
	v9 =	vtrunc.f32 v9;
	v11 =	vtrunc.f32 v11  }
0x92: {  	v16 =	vsub.f32 v16, v3;
	v8 =	vtrunc.f32 v8;
	v9 =	vcvt.f32.s32 v9  }
0x93: {  	v18 =	vld [tilespmem:s20+$0x8030];
	v17 =	vsub.f32 v17, v3;
	v14 =	vmul.f32 v14, v4;
	v5 =	vcvt.f32.s32 v5  }
0x94: {  	s30 =	simm.s32 $0x800;
	s31 =	simm.s32 $0x100;
	v20 =	vld [tilespmem:s20+$0x8010];
	v13 =	vmul.f32 v13, v4;
	v6 =	vcvt.f32.s32 v6;
	v9 =	vmin.u32 v9, $0x7FF  }
0x95: {  	s22 =	sand.u32 $0x4000, s31;
	s21 =	sand.u32 $0x3C00, s30;
	v10 =	vcvt.f32.s32 v10;
	v5 =	vmin.u32 v5, $0x7FF;
	v15 =	vor.u32 v1, v9;
	v9 =	vld [tilespmem:s20+$0x8070];
	s20 =	simm.s32 $0x10  }
0x96: {  	s21 =	sor.u32 s21, s22;
	v12 =	vtrunc.f32 v12;
	v6 =	vmin.u32 v6, $0x7FF;
	v5 =	vor.u32 v1, v5;
	s23 =	sand.u32 $0x380, s20  }
0x97: {  	v11 =	vcvt.f32.s32 v11;
	v10 =	vmin.u32 v10, $0x7FF;
	v6 =	vor.u32 v1, v6;
	s21 =	sor.u32 s23, s21  }
0x98: {  	v7 =	vtrunc.f32 v7;
	v16 =	vmul.f32 v16, v4;
	v10 =	vor.u32 v1, v10;
	v21 =	vld [tilespmem:s21+$0x8020]  }
0x99: {  	v8 =	vcvt.f32.s32 v8;
	v14 =	vtrunc.f32 v14;
	v11 =	vmin.u32 v11, $0x7FF;
	v25 =	vld [tilespmem:s21+$0x8040]  }
0x9a: {  	v23 =	vmul.f32 v17, v4;
	v14 =	vcvt.f32.s32 v14;
	v24 =	vor.u32 v1, v11;
	v11 =	vld [tilespmem:s21+$0x8030]  }
0x9b: {  	v12 =	vcvt.f32.s32 v12;
	v8 =	vmin.u32 v8, $0x7FF;
	[tilespmem:v5+s14+$0x0] =	vst.idx.add.f32.msk $0xffff, v2;
	v5 =	vsub.f32 v18, v3  }
0x9c: {  	[tilespmem:v6+s14+$0x0] =	vst.idx.add.f32.msk $0xffff, v2;
	v6 =	vtrunc.f32 v13;
	v13 =	vmin.u32 v14, $0x7FF;
	v14 =	vsub.f32 v9, v3  }
0x9d: {  	v7 =	vcvt.f32.s32 v7;
	v26 =	vor.u32 v1, v8;
	[tilespmem:v10+s14+$0x0] =	vst.idx.add.f32.msk $0xffff, v2;
	v6 =	vcvt.f32.s32 v6  }
0x9e: {  	v10 =	vld [tilespmem:s21+$0x8050];
	v22 =	vmul.f32 v5, v4;
	v5 =	vor.u32 v1, v13;
	v13 =	vmul.f32 v14, v4  }
0x9f: {  	v12 =	vmin.u32 v12, $0x7FF;
	v18 =	vld [tilespmem:s21+$0x8060];
	v14 =	vsub.f32 v20, v3;
	v6 =	vmin.u32 v6, $0x7FF  }
0xa0: {  	v9 =	vld [tilespmem:s21+$0x8000];
	v20 =	vor.u32 v1, v12;
	v13 =	vtrunc.f32 v13;
	v8 =	vor.u32 v1, v6  }
0xa1: {  	[tilespmem:v15+s14+$0x0] =	vst.idx.add.f32.msk $0xffff, v2;
	v6 =	vmin.u32 v7, $0x7FF;
	v15 =	vmul.f32 v14, v4;
	v17 =	vcvt.f32.s32 v13  }
0xa2: {  	[tilespmem:v24+s14+$0x0] =	vst.idx.add.f32.msk $0xffff, v2;
	v13 =	vtrunc.f32 v22;
	v14 =	vor.u32 v1, v6;
	v22 =	vtrunc.f32 v16  }
0xa3: {  	[tilespmem:v26+s14+$0x0] =	vst.idx.add.f32.msk $0xffff, v2;
	v63 =	vsub.f32 v10, v3;
	v6 =	vsub.f32 v21, v3;
	v7 =	vcvt.f32.s32 v13  }
0xa4: {  	v12 =	vld [tilespmem:s21+$0x8070];
	v21 =	vsub.f32 v18, v3;
	v16 =	vsub.f32 v25, v3;
	v13 =	vmul.f32 v19, v4  }
0xa5: {  	v10 =	vld [tilespmem:s21+$0x8010];
	v19 =	vtrunc.f32 v23;
	v18 =	vcvt.f32.s32 v22;
	v7 =	vmin.u32 v7, $0x7FF  }
0xa6: {  	s22 =	simm.s32 $0x180;
	s21 =	simm.s32 $0xC00;
	v17 =	vmin.u32 v17, $0x7FF;
	[tilespmem:v20+s14+$0x0] =	vst.idx.add.f32.msk $0xffff, v2;
	v20 =	vmul.f32 v63, v4;
	v7 =	vor.u32 v1, v7  }
.LBB2_7:
0xa7: {  	s20 =	sadd.s32 $0x8, s20;
	s23 =	sand.u32 $0x4000, s22;
	s24 =	sand.u32 $0x3C00, s21;
	v22 =	vsub.f32 v9, v3;
	v9 =	vmul.f32 v21, v4;
	v19 =	vcvt.f32.s32 v19;
	[tilespmem:v14+s14+$0x0] =	vst.idx.add.f32.msk $0xffff, v2  }
0xa8: {  	v15 =	vtrunc.f32 v15;
	v17 =	vor.u32 v1, v17;
	s25 =	sand.u32 $0x380, s20;
	s23 =	sor.u32 s24, s23;
	p0 =	slt.u32 s20, $0x7F8;
	v14 =	vtrunc.f32 v20;
	[tilespmem:v5+s14+$0x0] =	vst.idx.add.f32.msk $0xffff, v2  }
0xa9: {  	v5 =	vsub.f32 v11, v3;
	s23 =	sor.u32 s25, s23;
	v11 =	vcvt.f32.s32 v14;
	v14 =	vmin.u32 v19, $0x7FF;
	[tilespmem:v8+s14+$0x0] =	vst.idx.add.f32.msk $0xffff, v2  }
0xaa: {  	v15 =	vcvt.f32.s32 v15;
	v18 =	vmin.u32 v18, $0x7FF;
	v8 =	vtrunc.f32 v9;
	v20 =	vld [tilespmem:s23+$0x8060]  }
0xab: {  	v12 =	vsub.f32 v12, v3;
	v13 =	vtrunc.f32 v13;
	v21 =	vld [tilespmem:s23+$0x8020];
	v11 =	vmin.u32 v11, $0x7FF  }
0xac: {  	v16 =	vmul.f32 v16, v4;
	v19 =	vmul.f32 v5, v4;
	v9 =	vld [tilespmem:s23+$0x8000];
	v5 =	vor.u32 v1, v11  }
0xad: {  	v22 =	vmul.f32 v22, v4;
	v11 =	vmul.f32 v12, v4;
	v12 =	vmin.u32 v15, $0x7FF;
	[tilespmem:v17+s14+$0x0] =	vst.idx.add.f32.msk $0xffff, v2  }
0xae: {  	v13 =	vcvt.f32.s32 v13;
	v18 =	vor.u32 v1, v18;
	v8 =	vcvt.f32.s32 v8;
	v23 =	vld [tilespmem:s23+$0x8050]  }
0xaf: {  	v10 =	vsub.f32 v10, v3;
	v25 =	vor.u32 v1, v12;
	v15 =	vtrunc.f32 v11;
	v24 =	vld [tilespmem:s23+$0x8040]  }
0xb0: {  	v26 =	vor.u32 v1, v14;
	v8 =	vmin.u32 v8, $0x7FF;
	v17 =	vcvt.f32.s32 v15;
	v11 =	vld [tilespmem:s23+$0x8030]  }
0xb1: {  	v13 =	vmin.u32 v13, $0x7FF;
	v14 =	vtrunc.f32 v19;
	v8 =	vor.u32 v1, v8;
	[tilespmem:v7+s14+$0x0] =	vst.idx.add.f32.msk $0xffff, v2  }
.Ltmp2:
0xb2: {  	v15 =	vmul.f32 v10, v4;
	v7 =	vcvt.f32.s32 v14;
	v14 =	vor.u32 v1, v13;
	v12 =	vld [tilespmem:s23+$0x8070];
	(pc) =	sbr.rel @p0 .LBB2_7-.Ltmp2, $4  }
0xb3: {  	v27 =	vtrunc.f32 v16;
	v13 =	vmul.f32 v6, v4;
	v17 =	vmin.u32 v17, $0x7FF;
	[tilespmem:v18+s14+$0x0] =	vst.idx.add.f32.msk $0xffff, v2  }
0xb4: {  	v19 =	vtrunc.f32 v22;
	v18 =	vsub.f32 v23, v3;
	v7 =	vmin.u32 v7, $0x7FF;
	[tilespmem:v25+s14+$0x0] =	vst.idx.add.f32.msk $0xffff, v2  }
0xb5: {  	v6 =	vsub.f32 v21, v3;
	v21 =	vsub.f32 v20, v3;
	v7 =	vor.u32 v1, v7;
	v10 =	vld [tilespmem:s23+$0x8010]  }
0xb6: {  	s21 =	sadd.s32 $0x400, s21;
	s22 =	sadd.s32 $0x80, s22;
	v16 =	vsub.f32 v24, v3;
	v20 =	vmul.f32 v18, v4;
	v18 =	vcvt.f32.s32 v27;
	[tilespmem:v26+s14+$0x0] =	vst.idx.add.f32.msk $0xffff, v2  }
0xb7: {  	v21 =	vmul.f32 v21, v4  }
0xb8: {  	v9 =	vsub.f32 v9, v3;
	v19 =	vcvt.f32.s32 v19;
	v15 =	vtrunc.f32 v15  }
0xb9: {  	v17 =	vor.u32 v1, v17;
	v13 =	vtrunc.f32 v13;
	v6 =	vmul.f32 v6, v4  }
0xba: {  	v11 =	vsub.f32 v11, v3;
	v20 =	vtrunc.f32 v20;
	v15 =	vcvt.f32.s32 v15  }
0xbb: {  	v12 =	vsub.f32 v12, v3;
	v16 =	vmul.f32 v16, v4;
	v13 =	vcvt.f32.s32 v13  }
0xbc: {  	v18 =	vmin.u32 v18, $0x7FF;
	v20 =	vcvt.f32.s32 v20;
	v21 =	vtrunc.f32 v21  }
0xbd: {  	v19 =	vmin.u32 v19, $0x7FF;
	v11 =	vmul.f32 v11, v4;
	v9 =	vmul.f32 v9, v4  }
0xbe: {  	v12 =	vmul.f32 v12, v4;
	v18 =	vor.u32 v1, v18;
	v6 =	vtrunc.f32 v6  }
0xbf: {  	v15 =	vmin.u32 v15, $0x7FF;
	v21 =	vcvt.f32.s32 v21;
	v10 =	vsub.f32 v10, v3  }
0xc0: {  	[tilespmem:v7+s14+$0x0] =	vst.idx.add.f32.msk $0xffff, v2;
	v61 =	vor.u32 v1, v19;
	v13 =	vmin.u32 v13, $0x7FF;
	v7 =	vtrunc.f32 v16  }
0xc1: {  	[tilespmem:v14+s14+$0x0] =	vst.idx.add.f32.msk $0xffff, v2;
	v20 =	vmin.u32 v20, $0x7FF;
	v12 =	vtrunc.f32 v12;
	v59 =	vor.u32 v1, v15  }
0xc2: {  	[tilespmem:v5+s14+$0x0] =	vst.idx.add.f32.msk $0xffff, v2;
	v11 =	vtrunc.f32 v11;
	v13 =	vor.u32 v1, v13;
	v9 =	vtrunc.f32 v9  }
0xc3: {  	[tilespmem:v8+s14+$0x0] =	vst.idx.add.f32.msk $0xffff, v2;
	v7 =	vcvt.f32.s32 v7;
	v20 =	vor.u32 v1, v20;
	v5 =	vcvt.f32.s32 v12  }
0xc4: {  	v60 =	vmin.u32 v21, $0x7FF;
	v10 =	vmul.f32 v10, v4;
	[tilespmem:v17+s14+$0x0] =	vst.idx.add.f32.msk $0xffff, v2;
	v11 =	vcvt.f32.s32 v11  }
0xc5: {  	v9 =	vcvt.f32.s32 v9;
	v62 =	vor.u32 v1, v60;
	v5 =	vmin.u32 v5, $0x7FF;
	[tilespmem:v18+s14+$0x0] =	vst.idx.add.f32.msk $0xffff, v2  }
0xc6: {  	v7 =	vmin.u32 v7, $0x7FF;
	v10 =	vtrunc.f32 v10;
	v5 =	vor.u32 v1, v5;
	[tilespmem:v61+s14+$0x0] =	vst.idx.add.f32.msk $0xffff, v2  }
0xc7: {  	v11 =	vmin.u32 v11, $0x7FF;
	v7 =	vor.u32 v1, v7;
	v10 =	vcvt.f32.s32 v10;
	[tilespmem:v59+s14+$0x0] =	vst.idx.add.f32.msk $0xffff, v2  }
0xc8: {  	v6 =	vcvt.f32.s32 v6;
	v9 =	vmin.u32 v9, $0x7FF;
	v11 =	vor.u32 v1, v11;
	[tilespmem:v13+s14+$0x0] =	vst.idx.add.f32.msk $0xffff, v2  }
0xc9: {  	v63 =	vor.u32 v1, v9;
	v10 =	vmin.u32 v10, $0x7FF;
	[tilespmem:v20+s14+$0x0] =	vst.idx.add.f32.msk $0xffff, v2  }
0xca: {  	s19 =	sadd.s32 $0x1, s19;
	v6 =	vmin.u32 v6, $0x7FF;
	v10 =	vor.u32 v1, v10;
	[tilespmem:v62+s14+$0x0] =	vst.idx.add.f32.msk $0xffff, v2  }
0xcb: {  	p0 =	sne.s32 s19, $0x10;
	[tilespmem:v5+s14+$0x0] =	vst.idx.add.f32.msk $0xffff, v2;
	v5 =	vor.u32 v1, v6  }
.Ltmp3:
0xcc: {  	[tilespmem:v7+s14+$0x0] =	vst.idx.add.f32.msk $0xffff, v2;
	(pc) =	sbr.rel @p0 .LBB2_4-.Ltmp3, $4  }
0xcd: {  	[tilespmem:v11+s14+$0x0] =	vst.idx.add.f32.msk $0xffff, v2  }
0xce: {  	[tilespmem:v63+s14+$0x0] =	vst.idx.add.f32.msk $0xffff, v2  }
0xcf: {  	[tilespmem:v10+s14+$0x0] =	vst.idx.add.f32.msk $0xffff, v2  }
0xd0: {  	[tilespmem:v5+s14+$0x0] =	vst.idx.add.f32.msk $0xffff, v2  }
0xd1: {  	s18 =	simm.s32 $0x0  }
0xd2: {  	v3 =	vld [tilespmem:s18+$0x10010]  }
0xd3: {  	s19 =	simm.s32 $0x0;
	v4 =	vld [tilespmem:s18+$0x10000]  }
0xd4: {  	s20 =	sand.u32 $0x7E0, s19;
	v5 =	vld [tilespmem:s18+$0x10810]  }
0xd5: {  	v6 =	vld [tilespmem:s20+$0x10800]  }
0xd6: {  	v7 =	vld [tilespmem:s18+$0x11010]  }
0xd7: {  	v8 =	vld [tilespmem:s20+$0x11000];
	v3 =	vadd.f32 $0.0e+00, v3  }
0xd8: {  	v9 =	vld [tilespmem:s18+$0x11810];
	v4 =	vadd.f32 $0.0e+00, v4  }
0xd9: {  	v10 =	vld [tilespmem:s20+$0x11800];
	v3 =	vadd.f32 v5, v3  }
0xda: {  	v4 =	vadd.f32 v6, v4;
	v5 =	vld [tilespmem:s18+$0x12010]  }
0xdb: {  	v6 =	vld [tilespmem:s20+$0x12000];
	v3 =	vadd.f32 v7, v3  }
0xdc: {  	v4 =	vadd.f32 v8, v4;
	v7 =	vld [tilespmem:s18+$0x12810]  }
0xdd: {  	v8 =	vld [tilespmem:s20+$0x12800];
	v3 =	vadd.f32 v9, v3  }
0xde: {  	v4 =	vadd.f32 v10, v4;
	v9 =	vld [tilespmem:s18+$0x13010]  }
0xdf: {  	v10 =	vld [tilespmem:s20+$0x13000];
	v3 =	vadd.f32 v5, v3  }
0xe0: {  	v4 =	vadd.f32 v6, v4;
	v5 =	vld [tilespmem:s18+$0x13810]  }
0xe1: {  	v6 =	vld [tilespmem:s20+$0x13800];
	v3 =	vadd.f32 v7, v3  }
0xe2: {  	v4 =	vadd.f32 v8, v4;
	v7 =	vld [tilespmem:s18+$0x14010]  }
0xe3: {  	v8 =	vld [tilespmem:s20+$0x14000];
	v3 =	vadd.f32 v9, v3  }
0xe4: {  	v4 =	vadd.f32 v10, v4;
	v9 =	vld [tilespmem:s18+$0x14810]  }
0xe5: {  	v10 =	vld [tilespmem:s20+$0x14800];
	v3 =	vadd.f32 v5, v3  }
0xe6: {  	v4 =	vadd.f32 v6, v4;
	v5 =	vld [tilespmem:s18+$0x15010]  }
0xe7: {  	v6 =	vld [tilespmem:s20+$0x15000];
	v3 =	vadd.f32 v7, v3  }
0xe8: {  	v4 =	vadd.f32 v8, v4;
	v7 =	vld [tilespmem:s18+$0x15810]  }
0xe9: {  	v8 =	vld [tilespmem:s20+$0x15800];
	v3 =	vadd.f32 v9, v3  }
0xea: {  	v4 =	vadd.f32 v10, v4;
	v9 =	vld [tilespmem:s18+$0x16010]  }
0xeb: {  	v10 =	vld [tilespmem:s20+$0x16000];
	v11 =	vadd.f32 v5, v3  }
0xec: {  	v4 =	vadd.f32 v6, v4;
	v5 =	vld [tilespmem:s18+$0x16810]  }
0xed: {  	v3 =	vld [tilespmem:s20+$0x16800];
	v7 =	vadd.f32 v7, v11  }
0xee: {  	v6 =	vld [tilespmem:s18+$0x17010];
	v8 =	vadd.f32 v8, v4  }
0xef: {  	v4 =	vld [tilespmem:s20+$0x17000];
	v9 =	vadd.f32 v9, v7  }
0xf0: {  	s21 =	simm.s32 $0x0;
	s22 =	simm.s32 $0x80;
	v8 =	vadd.f32 v10, v8;
	v7 =	vld [tilespmem:s18+$0x17810]  }
.LBB2_10:
0xf1: {  	s23 =	sshra.s32 s22, $0x2;
	s21 =	sadd.s32 $0x2, s21;
	v10 =	vld [tilespmem:s20+$0x17800];
	v5 =	vadd.f32 v5, v9  }
0xf2: {  	v9 =	vld [tilespmem:s23+$0x10010];
	p0 =	slt.u32 s21, $0x7E;
	v3 =	vadd.f32 v3, v8  }
0xf3: {  	s19 =	sadd.s32 $0x20, s19;
	v8 =	vld [tilespmem:s23+$0x10000];
	v5 =	vadd.f32 v6, v5  }
0xf4: {  	s20 =	sand.u32 $0x7E0, s19;
	v6 =	vld [tilespmem:s23+$0x10810];
	v3 =	vadd.f32 v4, v3  }
0xf5: {  	v4 =	vld [tilespmem:s20+$0x10800];
	v5 =	vadd.f32 v7, v5  }
0xf6: {  	v7 =	vld [tilespmem:s23+$0x11010];
	v3 =	vadd.f32 v10, v3  }
0xf7: {  	v10 =	vld [tilespmem:s20+$0x11000];
	v9 =	vadd.f32 $0.0e+00, v9;
	[tilespmem:s18+$0x18010] =	vst v5  }
0xf8: {  	v5 =	vadd.f32 $0.0e+00, v8;
	v8 =	vld [tilespmem:s23+$0x11810];
	[tilespmem:s18+$0x18000] =	vst v3;
	s18 =	smov.u32 s23  }
0xf9: {  	v3 =	vld [tilespmem:s20+$0x11800];
	v6 =	vadd.f32 v6, v9  }
0xfa: {  	v4 =	vadd.f32 v4, v5;
	v5 =	vld [tilespmem:s18+$0x12010]  }
0xfb: {  	v9 =	vld [tilespmem:s20+$0x12000];
	v6 =	vadd.f32 v7, v6  }
0xfc: {  	v4 =	vadd.f32 v10, v4;
	v7 =	vld [tilespmem:s18+$0x12810]  }
0xfd: {  	v10 =	vld [tilespmem:s20+$0x12800];
	v6 =	vadd.f32 v8, v6  }
0xfe: {  	v3 =	vadd.f32 v3, v4;
	v4 =	vld [tilespmem:s18+$0x13010]  }
0xff: {  	v8 =	vld [tilespmem:s20+$0x13000];
	v5 =	vadd.f32 v5, v6  }
0x100: {  	v3 =	vadd.f32 v9, v3;
	v6 =	vld [tilespmem:s18+$0x13810]  }
0x101: {  	v9 =	vld [tilespmem:s20+$0x13800];
	v5 =	vadd.f32 v7, v5  }
0x102: {  	v3 =	vadd.f32 v10, v3;
	v7 =	vld [tilespmem:s18+$0x14010]  }
0x103: {  	v10 =	vld [tilespmem:s20+$0x14000];
	v4 =	vadd.f32 v4, v5  }
0x104: {  	v3 =	vadd.f32 v8, v3;
	v5 =	vld [tilespmem:s18+$0x14810]  }
0x105: {  	v8 =	vld [tilespmem:s20+$0x14800];
	v4 =	vadd.f32 v6, v4  }
0x106: {  	v3 =	vadd.f32 v9, v3;
	v6 =	vld [tilespmem:s18+$0x15010]  }
0x107: {  	v9 =	vld [tilespmem:s20+$0x15000];
	v4 =	vadd.f32 v7, v4  }
0x108: {  	v3 =	vadd.f32 v10, v3;
	v7 =	vld [tilespmem:s18+$0x15810]  }
0x109: {  	v10 =	vld [tilespmem:s20+$0x15800];
	v4 =	vadd.f32 v5, v4  }
0x10a: {  	v3 =	vadd.f32 v8, v3;
	v8 =	vld [tilespmem:s18+$0x16010]  }
0x10b: {  	v11 =	vld [tilespmem:s20+$0x16000];
	v4 =	vadd.f32 v6, v4  }
.Ltmp4:
0x10c: {  	v6 =	vadd.f32 v9, v3;
	v5 =	vld [tilespmem:s18+$0x16810];
	(pc) =	sbr.rel @p0 .LBB2_10-.Ltmp4, $4  }
0x10d: {  	v3 =	vld [tilespmem:s20+$0x16800];
	v7 =	vadd.f32 v7, v4  }
0x10e: {  	v10 =	vadd.f32 v10, v6;
	v6 =	vld [tilespmem:s18+$0x17010]  }
0x10f: {  	v4 =	vld [tilespmem:s20+$0x17000];
	v9 =	vadd.f32 v8, v7  }
0x110: {  	s22 =	sadd.s32 $0x80, s22;
	v8 =	vadd.f32 v11, v10;
	v7 =	vld [tilespmem:s18+$0x17810]  }
0x111: {  	v10 =	vld [tilespmem:s20+$0x17800];
	v5 =	vadd.f32 v5, v9  }
0x112: {  	v3 =	vadd.f32 v3, v8  }
0x113: {  	v5 =	vadd.f32 v6, v5  }
0x114: {  	v3 =	vadd.f32 v4, v3  }
0x115: {  	v63 =	vadd.f32 v7, v5  }
0x116: {  	s17 =	sadd.s32 $0x1, s17;
	v3 =	vadd.f32 v10, v3  }
0x117: {  	p0 =	sne.s32 s17, s9;
	[tilespmem:s18+$0x18010] =	vst v63  }
.Ltmp5:
0x118: {  	[tilespmem:s18+$0x18000] =	vst v3;
	(pc) =	sbr.rel @p0 .LBB2_1-.Ltmp5, $4  }
0x119: {  	[hbm4b:s8+s4] =	stream.linear.scatter [tilespmem:s16], [sflag:$0x3], $0x800, $0x38;
	[tilespmem:$0x18880] =	vst v63  }
0x11a: {  	_ =	swait.ge [sflag:s11], $0x800  }
0x11b: {  	[sflag:s11] =	ssyncset.done $0x0  }
0x11c: {  	[sflag:s11] =	ssyncadd.s32 $0xFFFFF800  }
0x11d: {  	_ =	sfence.sel $0x180000  }
0x11e: {  	[bflag:$0x0] =	sbarrier.arrive $0xFFFF  }
0x11f: {  	p0 =	sne.s32 s3, $0x0;
	_ =	strace $0x90000047  }
0x120: {  	s0 =	sadd.s32 @!p0 $0x100000, s0;
	[bflag:$0x2] =	sbarrier.arrive $0xFFFF  }
0x121: {  	[sflag:s0] =	ssyncadd.tile.s32 @!p0 $0x1;
	_ =	shalt  }
.Lfunc_end2:
_tile_overlayer_lowered:
.L_overlay_start_2:
0x122: {  	(tag) =	ssettag $0x2  }
0x123: {  	s0 =	rddreg [dreg:$0x0];
	s2 =	stileid.u32  }
0x124: {  	s1 =	rddreg [dreg:$0x1];
	p0 =	sne.s32 s2, $0x0  }
0x125: {  	s3 =	rddreg [dreg:$0x2];
	[bflag:$0x3] =	sbarrier.arrive $0xFFFF;
	s2 =	simm.s32 @!p0 $0x1C03  }
0x126: {  	[timem:s3], [sflag:s2] =	dma.local @!p0 [hbm:s0], s1  }
0x127: {  	s0 =	simm.s32 @!p0 $0x3  }
0x128: {  	_ =	swait.ge @!p0 [sflag:s0], s1  }
0x129: {  	s1 =	ssub.s32 @!p0 $0x0, s1;
	[sflag:s0] =	ssyncset.done @!p0 $0x0  }
0x12a: {  	[sflag:s0] =	ssyncadd.s32 @!p0 s1  }
0x12b: {  	[bflag:$0x3] =	sbarrier.arrive $0xFFFF  }
0x12c: {  	_ =	shalt  }

</sc_bundles>
